<compile_context>
chip_gen: v7x
topology: tpu7x:2x2x1
jax: 0.10.2.dev20260603
libtpu: 0.0.44.dev20260713+nightly
codegen_flags: <defaults>
</compile_context>

<pallas_src>
import functools

import jax
import jax.numpy as jnp
from jax import lax
from jax.experimental import pallas as pl
from jax.experimental.pallas import tpu as pltpu
from jax.experimental.pallas import tpu_sc as plsc

BATCH = 16384
NUM_ROWS = 1000000
HIST = 50
EMBED_DIM = 64
PADDED_DIM = 128

NC = 2
NS = 16
NW = NC * NS
BPW = BATCH // NW
NBUF = 8
GLEAD = 4
SLEAD = NBUF - GLEAD
NT = BPW // NBUF

_mesh = plsc.VectorSubcoreMesh(core_axis_name="c", subcore_axis_name="s")


@functools.partial(
    pl.kernel,
    out_type=jax.ShapeDtypeStruct((BATCH, HIST, PADDED_DIM), jnp.float32),
    mesh=_mesh,
    scratch_types=[
        pltpu.VMEM((BPW, HIST), jnp.int32),
        pltpu.VMEM((NBUF, HIST, PADDED_DIM), jnp.float32),
    ]
    + [pltpu.SemaphoreType.DMA] * (2 * NBUF),
    compiler_params=pltpu.CompilerParams(use_tc_tiling_on_sc=True),
)
def _sc_gather(table_hbm, idx_hbm, out_hbm, idx_v, bufs, *sems):
    gsem = sems[:NBUF]
    ssem = sems[NBUF:]
    wid = lax.axis_index("s") * NC + lax.axis_index("c")
    b0 = wid * BPW

    pltpu.sync_copy(idx_hbm.at[pl.ds(b0, BPW)], idx_v)

    for b in range(GLEAD):
        pltpu.async_copy(table_hbm.at[idx_v.at[b]], bufs.at[b], gsem[b])

    def step(t, carry):
        for b in range(NBUF):
            r = t * NBUF + b
            pltpu.make_async_copy(
                table_hbm.at[idx_v.at[0]], bufs.at[b], gsem[b]
            ).wait()
            pltpu.async_copy(bufs.at[b], out_hbm.at[b0 + r], ssem[b])
            bn = (b + GLEAD) % NBUF

            @pl.when(r >= SLEAD)
            def _():
                pltpu.make_async_copy(
                    bufs.at[bn], out_hbm.at[0], ssem[bn]
                ).wait()

            @pl.when(r + GLEAD < BPW)
            def _():
                pltpu.async_copy(
                    table_hbm.at[idx_v.at[r + GLEAD]], bufs.at[bn], gsem[bn]
                )

        return carry

    lax.fori_loop(0, NT, step, 0)

    for b in range(GLEAD, NBUF):
        pltpu.make_async_copy(bufs.at[b], out_hbm.at[0], ssem[b]).wait()


def kernel(predicate_ids, table):
    idx = predicate_ids.astype(jnp.int32)
    tpad = jax.lax.dynamic_update_slice(
        jnp.zeros((NUM_ROWS, PADDED_DIM), jnp.float32), table, (0, 0)
    )
    return _sc_gather(tpad, idx)[:, :, :EMBED_DIM]

# --- scband reference (transcript-rebuilt; emitter-appended) ---
"""Pipeline reference for scband-predicate-embedding-18975165514436 (READ-ONLY COPY).

The authoritative reference and input builder live on the scoring server;
editing this copy changes nothing except your own understanding.
"""

import jax, jax.numpy as jnp
import numpy as np

NUM_PREDICATES = 1000000
EMBED_DIM = 64
BATCH = 16384
HIST = 50

def setup_inputs(seed: int = 0) -> dict:
    key = jax.random.key(seed)
    k1, k2 = jax.random.split(key)
    predicate_ids = jax.random.randint(k1, (BATCH, HIST), 0, NUM_PREDICATES, dtype=jnp.int64 if jax.config.jax_enable_x64 else jnp.int32)
    table = jax.random.normal(k2, (NUM_PREDICATES, EMBED_DIM), dtype=jnp.float32)
    return {"predicate_ids": predicate_ids, "table": table}

def reference(predicate_ids, table):
    # nn.Embedding forward: gather rows of the table
    return jnp.take(table, predicate_ids, axis=0)

if __name__ == "__main__":
    import jax
    _d = setup_inputs()
    print(jax.jit(kernel)(*tuple(_d.values())))

</pallas_src>

<mosaic_0001>
#map = affine_map<(d0, d1) -> (0, 0)>
#map1 = affine_map<(d0, d1) -> (0, 0, 0)>
module attributes {stable_mosaic.version = 14 : i64} {
  func.func @_sc_gather(%arg0: i32, %arg1: i32, %arg2: memref<1000000x128xf32, #tpu.memory_space<hbm>>, %arg3: memref<16384x50xi32, #tpu.memory_space<hbm>>, %arg4: memref<16384x50x128xf32, #tpu.memory_space<hbm>>, %arg5: memref<512x50xi32, #tpu.memory_space<vmem>>, %arg6: memref<8x50x128xf32, #tpu.memory_space<vmem>>, %arg7: memref<!tpu.dma_semaphore, #tpu.memory_space<semaphore_mem>>, %arg8: memref<!tpu.dma_semaphore, #tpu.memory_space<semaphore_mem>>, %arg9: memref<!tpu.dma_semaphore, #tpu.memory_space<semaphore_mem>>, %arg10: memref<!tpu.dma_semaphore, #tpu.memory_space<semaphore_mem>>, %arg11: memref<!tpu.dma_semaphore, #tpu.memory_space<semaphore_mem>>, %arg12: memref<!tpu.dma_semaphore, #tpu.memory_space<semaphore_mem>>, %arg13: memref<!tpu.dma_semaphore, #tpu.memory_space<semaphore_mem>>, %arg14: memref<!tpu.dma_semaphore, #tpu.memory_space<semaphore_mem>>, %arg15: memref<!tpu.dma_semaphore, #tpu.memory_space<semaphore_mem>>, %arg16: memref<!tpu.dma_semaphore, #tpu.memory_space<semaphore_mem>>, %arg17: memref<!tpu.dma_semaphore, #tpu.memory_space<semaphore_mem>>, %arg18: memref<!tpu.dma_semaphore, #tpu.memory_space<semaphore_mem>>, %arg19: memref<!tpu.dma_semaphore, #tpu.memory_space<semaphore_mem>>, %arg20: memref<!tpu.dma_semaphore, #tpu.memory_space<semaphore_mem>>, %arg21: memref<!tpu.dma_semaphore, #tpu.memory_space<semaphore_mem>>, %arg22: memref<!tpu.dma_semaphore, #tpu.memory_space<semaphore_mem>>) attributes {dimension_semantics = [#tpu.dimension_semantics<core_parallel>, #tpu.dimension_semantics<subcore_parallel>], iteration_bounds = array<i64: 2, 16>, scalar_prefetch = 0 : i64, scratch_operands = 18 : i64, tpu.core_type = #tpu.core_type<sc_vector_subcore>, window_params = [{transform_indices = #map}, {transform_indices = #map}, {transform_indices = #map1}]} {
    %mul3A = arith.constant 2 : i32
    %mul3A_0 = arith.muli %arg1, %mul3A : i32
    %add3A = arith.addi %mul3A_0, %arg0 : i32
    %mul3A_1 = arith.constant 512 : i32
    %mul3A_2 = arith.muli %add3A, %mul3A_1 : i32
    "tpu.region"() ({
      %run_scoped3A = tpu.sem_alloc : memref<!tpu.dma_semaphore, #tpu.memory_space<semaphore_mem>>
      %dma_start3A_126 = arith.constant 0 : i32
      %dma_start3A_127 = tpu.memref_slice %arg3[%mul3A_2, %dma_start3A_126] : memref<16384x50xi32, #tpu.memory_space<hbm>> -> memref<512x50xi32, #tpu.memory_space<hbm>>
      %dma_start3A_128 = arith.constant 0 : i32
      %dma_start3A_129 = tpu.memref_slice %arg3[%mul3A_2, %dma_start3A_128] : memref<16384x50xi32, #tpu.memory_space<hbm>> -> memref<512x50xi32, #tpu.memory_space<hbm>>
      tpu.enqueue_dma source(%dma_start3A_129 : memref<512x50xi32, #tpu.memory_space<hbm>>) target(%arg5 : memref<512x50xi32, #tpu.memory_space<vmem>>) target_semaphore(%run_scoped3A : memref<!tpu.dma_semaphore, #tpu.memory_space<semaphore_mem>>)
      %dma_wait3A_130 = arith.constant 0 : i32
      %dma_wait3A_131 = tpu.memref_slice %arg3[%mul3A_2, %dma_wait3A_130] : memref<16384x50xi32, #tpu.memory_space<hbm>> -> memref<512x50xi32, #tpu.memory_space<hbm>>
      %dma_wait3A_132 = arith.constant 0 : i32
      %dma_wait3A_133 = tpu.memref_slice %arg3[%mul3A_2, %dma_wait3A_132] : memref<16384x50xi32, #tpu.memory_space<hbm>> -> memref<512x50xi32, #tpu.memory_space<hbm>>
      tpu.wait_dma2 semaphore(%run_scoped3A : memref<!tpu.dma_semaphore, #tpu.memory_space<semaphore_mem>>) src(%dma_wait3A_133 : memref<512x50xi32, #tpu.memory_space<hbm>>) dst(%arg5 : memref<512x50xi32, #tpu.memory_space<vmem>>)
      tpu.yield
    }) : () -> ()
    %dma_start3A = arith.constant 0 : i32
    %dma_start3A_3 = arith.constant 0 : i32
    %dma_start3A_4 = arith.constant 0 : i32
    %dma_start3A_5 = arith.constant 0 : i32
    %dma_start3A_6 = tpu.memref_slice %arg6[%dma_start3A_3, %dma_start3A_4, %dma_start3A_5] : memref<8x50x128xf32, #tpu.memory_space<vmem>> -> memref<1x50x128xf32, #tpu.memory_space<vmem>>
    %dma_start3A_7 = tpu.memref_squeeze %dma_start3A_6 : memref<1x50x128xf32, #tpu.memory_space<vmem>> -> memref<50x128xf32, #tpu.memory_space<vmem>>
    %dma_start3A_8 = arith.constant 0 : i32
    %dma_start3A_9 = tpu.memref_slice %arg5[%dma_start3A, %dma_start3A_8] : memref<512x50xi32, #tpu.memory_space<vmem>> -> memref<1x50xi32, #tpu.memory_space<vmem>>
    %dma_start3A_10 = tpu.memref_squeeze %dma_start3A_9 : memref<1x50xi32, #tpu.memory_space<vmem>> -> memref<50xi32, #tpu.memory_space<vmem>>
    %dma_start3A_11 = arith.constant 0 : i32
    %dma_start3A_12 = arith.constant 0 : i32
    %dma_start3A_13 = tpu.memref_slice %arg2[%dma_start3A_11, %dma_start3A_12] : memref<1000000x128xf32, #tpu.memory_space<hbm>> -> memref<1000000x128xf32, #tpu.memory_space<hbm>>
    tpu.enqueue_indirect_dma source(%dma_start3A_13 : memref<1000000x128xf32, #tpu.memory_space<hbm>>) target(%dma_start3A_7 : memref<50x128xf32, #tpu.memory_space<vmem>>) offsets(%dma_start3A_10 : memref<50xi32, #tpu.memory_space<vmem>>) semaphore(%arg7 : memref<!tpu.dma_semaphore, #tpu.memory_space<semaphore_mem>>)
    %dma_start3A_14 = arith.constant 1 : i32
    %dma_start3A_15 = arith.constant 1 : i32
    %dma_start3A_16 = arith.constant 0 : i32
    %dma_start3A_17 = arith.constant 0 : i32
    %dma_start3A_18 = tpu.memref_slice %arg6[%dma_start3A_15, %dma_start3A_16, %dma_start3A_17] : memref<8x50x128xf32, #tpu.memory_space<vmem>> -> memref<1x50x128xf32, #tpu.memory_space<vmem>>
    %dma_start3A_19 = tpu.memref_squeeze %dma_start3A_18 : memref<1x50x128xf32, #tpu.memory_space<vmem>> -> memref<50x128xf32, #tpu.memory_space<vmem>>
    %dma_start3A_20 = arith.constant 0 : i32
    %dma_start3A_21 = tpu.memref_slice %arg5[%dma_start3A_14, %dma_start3A_20] : memref<512x50xi32, #tpu.memory_space<vmem>> -> memref<1x50xi32, #tpu.memory_space<vmem>>
    %dma_start3A_22 = tpu.memref_squeeze %dma_start3A_21 : memref<1x50xi32, #tpu.memory_space<vmem>> -> memref<50xi32, #tpu.memory_space<vmem>>
    %dma_start3A_23 = arith.constant 0 : i32
    %dma_start3A_24 = arith.constant 0 : i32
    %dma_start3A_25 = tpu.memref_slice %arg2[%dma_start3A_23, %dma_start3A_24] : memref<1000000x128xf32, #tpu.memory_space<hbm>> -> memref<1000000x128xf32, #tpu.memory_space<hbm>>
    tpu.enqueue_indirect_dma source(%dma_start3A_25 : memref<1000000x128xf32, #tpu.memory_space<hbm>>) target(%dma_start3A_19 : memref<50x128xf32, #tpu.memory_space<vmem>>) offsets(%dma_start3A_22 : memref<50xi32, #tpu.memory_space<vmem>>) semaphore(%arg8 : memref<!tpu.dma_semaphore, #tpu.memory_space<semaphore_mem>>)
    %dma_start3A_26 = arith.constant 2 : i32
    %dma_start3A_27 = arith.constant 2 : i32
    %dma_start3A_28 = arith.constant 0 : i32
    %dma_start3A_29 = arith.constant 0 : i32
    %dma_start3A_30 = tpu.memref_slice %arg6[%dma_start3A_27, %dma_start3A_28, %dma_start3A_29] : memref<8x50x128xf32, #tpu.memory_space<vmem>> -> memref<1x50x128xf32, #tpu.memory_space<vmem>>
    %dma_start3A_31 = tpu.memref_squeeze %dma_start3A_30 : memref<1x50x128xf32, #tpu.memory_space<vmem>> -> memref<50x128xf32, #tpu.memory_space<vmem>>
    %dma_start3A_32 = arith.constant 0 : i32
    %dma_start3A_33 = tpu.memref_slice %arg5[%dma_start3A_26, %dma_start3A_32] : memref<512x50xi32, #tpu.memory_space<vmem>> -> memref<1x50xi32, #tpu.memory_space<vmem>>
    %dma_start3A_34 = tpu.memref_squeeze %dma_start3A_33 : memref<1x50xi32, #tpu.memory_space<vmem>> -> memref<50xi32, #tpu.memory_space<vmem>>
    %dma_start3A_35 = arith.constant 0 : i32
    %dma_start3A_36 = arith.constant 0 : i32
    %dma_start3A_37 = tpu.memref_slice %arg2[%dma_start3A_35, %dma_start3A_36] : memref<1000000x128xf32, #tpu.memory_space<hbm>> -> memref<1000000x128xf32, #tpu.memory_space<hbm>>
    tpu.enqueue_indirect_dma source(%dma_start3A_37 : memref<1000000x128xf32, #tpu.memory_space<hbm>>) target(%dma_start3A_31 : memref<50x128xf32, #tpu.memory_space<vmem>>) offsets(%dma_start3A_34 : memref<50xi32, #tpu.memory_space<vmem>>) semaphore(%arg9 : memref<!tpu.dma_semaphore, #tpu.memory_space<semaphore_mem>>)
    %dma_start3A_38 = arith.constant 3 : i32
    %dma_start3A_39 = arith.constant 3 : i32
    %dma_start3A_40 = arith.constant 0 : i32
    %dma_start3A_41 = arith.constant 0 : i32
    %dma_start3A_42 = tpu.memref_slice %arg6[%dma_start3A_39, %dma_start3A_40, %dma_start3A_41] : memref<8x50x128xf32, #tpu.memory_space<vmem>> -> memref<1x50x128xf32, #tpu.memory_space<vmem>>
    %dma_start3A_43 = tpu.memref_squeeze %dma_start3A_42 : memref<1x50x128xf32, #tpu.memory_space<vmem>> -> memref<50x128xf32, #tpu.memory_space<vmem>>
    %dma_start3A_44 = arith.constant 0 : i32
    %dma_start3A_45 = tpu.memref_slice %arg5[%dma_start3A_38, %dma_start3A_44] : memref<512x50xi32, #tpu.memory_space<vmem>> -> memref<1x50xi32, #tpu.memory_space<vmem>>
    %dma_start3A_46 = tpu.memref_squeeze %dma_start3A_45 : memref<1x50xi32, #tpu.memory_space<vmem>> -> memref<50xi32, #tpu.memory_space<vmem>>
    %dma_start3A_47 = arith.constant 0 : i32
    %dma_start3A_48 = arith.constant 0 : i32
    %dma_start3A_49 = tpu.memref_slice %arg2[%dma_start3A_47, %dma_start3A_48] : memref<1000000x128xf32, #tpu.memory_space<hbm>> -> memref<1000000x128xf32, #tpu.memory_space<hbm>>
    tpu.enqueue_indirect_dma source(%dma_start3A_49 : memref<1000000x128xf32, #tpu.memory_space<hbm>>) target(%dma_start3A_43 : memref<50x128xf32, #tpu.memory_space<vmem>>) offsets(%dma_start3A_46 : memref<50xi32, #tpu.memory_space<vmem>>) semaphore(%arg10 : memref<!tpu.dma_semaphore, #tpu.memory_space<semaphore_mem>>)
    %scan3A = arith.constant 0 : i32
    %scan3A_50 = arith.constant 0 : i32
    %scan3A_51 = arith.constant 64 : i32
    %scan3A_52 = arith.addi %scan3A_50, %scan3A_51 : i32
    %scan3A_53 = arith.constant 1 : i32
    scf.for %scan3A_126 = %scan3A_50 to %scan3A_52 step %scan3A_53  : i32 {
      %mul3A_127 = arith.constant 8 : i32
      %mul3A_128 = arith.muli %scan3A_126, %mul3A_127 : i32
      %add3A_129 = arith.constant 0 : i32
      %add3A_130 = arith.addi %mul3A_128, %add3A_129 : i32
      %dma_wait3A_131 = arith.constant 0 : i32
      %dma_wait3A_132 = arith.constant 0 : i32
      %dma_wait3A_133 = arith.constant 0 : i32
      %dma_wait3A_134 = arith.constant 0 : i32
      %dma_wait3A_135 = tpu.memref_slice %arg6[%dma_wait3A_132, %dma_wait3A_133, %dma_wait3A_134] : memref<8x50x128xf32, #tpu.memory_space<vmem>> -> memref<1x50x128xf32, #tpu.memory_space<vmem>>
      %dma_wait3A_136 = tpu.memref_squeeze %dma_wait3A_135 : memref<1x50x128xf32, #tpu.memory_space<vmem>> -> memref<50x128xf32, #tpu.memory_space<vmem>>
      %dma_wait3A_137 = arith.constant 0 : i32
      %dma_wait3A_138 = tpu.memref_slice %arg5[%dma_wait3A_131, %dma_wait3A_137] : memref<512x50xi32, #tpu.memory_space<vmem>> -> memref<1x50xi32, #tpu.memory_space<vmem>>
      %dma_wait3A_139 = tpu.memref_squeeze %dma_wait3A_138 : memref<1x50xi32, #tpu.memory_space<vmem>> -> memref<50xi32, #tpu.memory_space<vmem>>
      %dma_wait3A_140 = arith.constant 0 : i32
      %dma_wait3A_141 = arith.constant 0 : i32
      %dma_wait3A_142 = tpu.memref_slice %arg2[%dma_wait3A_140, %dma_wait3A_141] : memref<1000000x128xf32, #tpu.memory_space<hbm>> -> memref<1000000x128xf32, #tpu.memory_space<hbm>>
      tpu.wait_indirect_dma semaphore(%arg7 : memref<!tpu.dma_semaphore, #tpu.memory_space<semaphore_mem>>) src(%dma_wait3A_142 : memref<1000000x128xf32, #tpu.memory_space<hbm>>) dst(%dma_wait3A_136 : memref<50x128xf32, #tpu.memory_space<vmem>>)
      %add3A_143 = arith.addi %mul3A_2, %add3A_130 : i32
      %dma_start3A_144 = arith.constant 0 : i32
      %dma_start3A_145 = arith.constant 0 : i32
      %dma_start3A_146 = arith.constant 0 : i32
      %dma_start3A_147 = tpu.memref_slice %arg6[%dma_start3A_144, %dma_start3A_145, %dma_start3A_146] : memref<8x50x128xf32, #tpu.memory_space<vmem>> -> memref<1x50x128xf32, #tpu.memory_space<vmem>>
      %dma_start3A_148 = tpu.memref_squeeze %dma_start3A_147 : memref<1x50x128xf32, #tpu.memory_space<vmem>> -> memref<50x128xf32, #tpu.memory_space<vmem>>
      %dma_start3A_149 = arith.constant 0 : i32
      %dma_start3A_150 = arith.constant 0 : i32
      %dma_start3A_151 = tpu.memref_slice %arg4[%add3A_143, %dma_start3A_149, %dma_start3A_150] : memref<16384x50x128xf32, #tpu.memory_space<hbm>> -> memref<1x50x128xf32, #tpu.memory_space<hbm>>
      %dma_start3A_152 = tpu.memref_squeeze %dma_start3A_151 : memref<1x50x128xf32, #tpu.memory_space<hbm>> -> memref<50x128xf32, #tpu.memory_space<hbm>>
      %dma_start3A_153 = arith.constant 0 : i32
      %dma_start3A_154 = arith.constant 0 : i32
      %dma_start3A_155 = tpu.memref_slice %arg4[%add3A_143, %dma_start3A_153, %dma_start3A_154] : memref<16384x50x128xf32, #tpu.memory_space<hbm>> -> memref<1x50x128xf32, #tpu.memory_space<hbm>>
      %dma_start3A_156 = tpu.memref_squeeze %dma_start3A_155 : memref<1x50x128xf32, #tpu.memory_space<hbm>> -> memref<50x128xf32, #tpu.memory_space<hbm>>
      %dma_start3A_157 = arith.constant 0 : i32
      %dma_start3A_158 = arith.constant 0 : i32
      %dma_start3A_159 = tpu.memref_slice %arg6[%dma_start3A_144, %dma_start3A_157, %dma_start3A_158] : memref<8x50x128xf32, #tpu.memory_space<vmem>> -> memref<1x50x128xf32, #tpu.memory_space<vmem>>
      %dma_start3A_160 = tpu.memref_squeeze %dma_start3A_159 : memref<1x50x128xf32, #tpu.memory_space<vmem>> -> memref<50x128xf32, #tpu.memory_space<vmem>>
      tpu.enqueue_dma source(%dma_start3A_160 : memref<50x128xf32, #tpu.memory_space<vmem>>) target(%dma_start3A_156 : memref<50x128xf32, #tpu.memory_space<hbm>>) target_semaphore(%arg15 : memref<!tpu.dma_semaphore, #tpu.memory_space<semaphore_mem>>)
      %ge3A = arith.constant 4 : i32
      %ge3A_161 = arith.cmpi sge, %add3A_130, %ge3A : i32
      %convert_element_type3A = arith.extui %ge3A_161 : i1 to i32
      %cond3A = arith.constant 0 : i32
      %cond3A_162 = arith.cmpi ne, %convert_element_type3A, %cond3A : i32
      scf.if %cond3A_162 {
        %dma_wait3A_491 = arith.constant 4 : i32
        %dma_wait3A_492 = arith.constant 0 : i32
        %dma_wait3A_493 = arith.constant 0 : i32
        %dma_wait3A_494 = arith.constant 0 : i32
        %dma_wait3A_495 = tpu.memref_slice %arg6[%dma_wait3A_491, %dma_wait3A_493, %dma_wait3A_494] : memref<8x50x128xf32, #tpu.memory_space<vmem>> -> memref<1x50x128xf32, #tpu.memory_space<vmem>>
        %dma_wait3A_496 = tpu.memref_squeeze %dma_wait3A_495 : memref<1x50x128xf32, #tpu.memory_space<vmem>> -> memref<50x128xf32, #tpu.memory_space<vmem>>
        %dma_wait3A_497 = arith.constant 0 : i32
        %dma_wait3A_498 = arith.constant 0 : i32
        %dma_wait3A_499 = tpu.memref_slice %arg4[%dma_wait3A_492, %dma_wait3A_497, %dma_wait3A_498] : memref<16384x50x128xf32, #tpu.memory_space<hbm>> -> memref<1x50x128xf32, #tpu.memory_space<hbm>>
        %dma_wait3A_500 = tpu.memref_squeeze %dma_wait3A_499 : memref<1x50x128xf32, #tpu.memory_space<hbm>> -> memref<50x128xf32, #tpu.memory_space<hbm>>
        %dma_wait3A_501 = arith.constant 0 : i32
        %dma_wait3A_502 = arith.constant 0 : i32
        %dma_wait3A_503 = tpu.memref_slice %arg4[%dma_wait3A_492, %dma_wait3A_501, %dma_wait3A_502] : memref<16384x50x128xf32, #tpu.memory_space<hbm>> -> memref<1x50x128xf32, #tpu.memory_space<hbm>>
        %dma_wait3A_504 = tpu.memref_squeeze %dma_wait3A_503 : memref<1x50x128xf32, #tpu.memory_space<hbm>> -> memref<50x128xf32, #tpu.memory_space<hbm>>
        %dma_wait3A_505 = arith.constant 0 : i32
        %dma_wait3A_506 = arith.constant 0 : i32
        %dma_wait3A_507 = tpu.memref_slice %arg6[%dma_wait3A_491, %dma_wait3A_505, %dma_wait3A_506] : memref<8x50x128xf32, #tpu.memory_space<vmem>> -> memref<1x50x128xf32, #tpu.memory_space<vmem>>
        %dma_wait3A_508 = tpu.memref_squeeze %dma_wait3A_507 : memref<1x50x128xf32, #tpu.memory_space<vmem>> -> memref<50x128xf32, #tpu.memory_space<vmem>>
        tpu.wait_dma2 semaphore(%arg19 : memref<!tpu.dma_semaphore, #tpu.memory_space<semaphore_mem>>) src(%dma_wait3A_508 : memref<50x128xf32, #tpu.memory_space<vmem>>) dst(%dma_wait3A_504 : memref<50x128xf32, #tpu.memory_space<hbm>>)
      } else {
      }
      %add3A_163 = arith.constant 4 : i32
      %add3A_164 = arith.addi %add3A_130, %add3A_163 : i32
      %lt3A = arith.constant 512 : i32
      %lt3A_165 = arith.cmpi slt, %add3A_164, %lt3A : i32
      %convert_element_type3A_166 = arith.extui %lt3A_165 : i1 to i32
      %cond3A_167 = arith.constant 0 : i32
      %cond3A_168 = arith.cmpi ne, %convert_element_type3A_166, %cond3A_167 : i32
      scf.if %cond3A_168 {
        %add3A_491 = arith.constant 4 : i32
        %add3A_492 = arith.addi %add3A_130, %add3A_491 : i32
        %dma_start3A_493 = arith.constant 4 : i32
        %dma_start3A_494 = arith.constant 0 : i32
        %dma_start3A_495 = arith.constant 0 : i32
        %dma_start3A_496 = tpu.memref_slice %arg6[%dma_start3A_493, %dma_start3A_494, %dma_start3A_495] : memref<8x50x128xf32, #tpu.memory_space<vmem>> -> memref<1x50x128xf32, #tpu.memory_space<vmem>>
        %dma_start3A_497 = tpu.memref_squeeze %dma_start3A_496 : memref<1x50x128xf32, #tpu.memory_space<vmem>> -> memref<50x128xf32, #tpu.memory_space<vmem>>
        %dma_start3A_498 = arith.constant 0 : i32
        %dma_start3A_499 = tpu.memref_slice %arg5[%add3A_492, %dma_start3A_498] : memref<512x50xi32, #tpu.memory_space<vmem>> -> memref<1x50xi32, #tpu.memory_space<vmem>>
        %dma_start3A_500 = tpu.memref_squeeze %dma_start3A_499 : memref<1x50xi32, #tpu.memory_space<vmem>> -> memref<50xi32, #tpu.memory_space<vmem>>
        %dma_start3A_501 = arith.constant 0 : i32
        %dma_start3A_502 = arith.constant 0 : i32
        %dma_start3A_503 = tpu.memref_slice %arg2[%dma_start3A_501, %dma_start3A_502] : memref<1000000x128xf32, #tpu.memory_space<hbm>> -> memref<1000000x128xf32, #tpu.memory_space<hbm>>
        tpu.enqueue_indirect_dma source(%dma_start3A_503 : memref<1000000x128xf32, #tpu.memory_space<hbm>>) target(%dma_start3A_497 : memref<50x128xf32, #tpu.memory_space<vmem>>) offsets(%dma_start3A_500 : memref<50xi32, #tpu.memory_space<vmem>>) semaphore(%arg11 : memref<!tpu.dma_semaphore, #tpu.memory_space<semaphore_mem>>)
      } else {
      }
      %mul3A_169 = arith.constant 8 : i32
      %mul3A_170 = arith.muli %scan3A_126, %mul3A_169 : i32
      %add3A_171 = arith.constant 1 : i32
      %add3A_172 = arith.addi %mul3A_170, %add3A_171 : i32
      %dma_wait3A_173 = arith.constant 0 : i32
      %dma_wait3A_174 = arith.constant 1 : i32
      %dma_wait3A_175 = arith.constant 0 : i32
      %dma_wait3A_176 = arith.constant 0 : i32
      %dma_wait3A_177 = tpu.memref_slice %arg6[%dma_wait3A_174, %dma_wait3A_175, %dma_wait3A_176] : memref<8x50x128xf32, #tpu.memory_space<vmem>> -> memref<1x50x128xf32, #tpu.memory_space<vmem>>
      %dma_wait3A_178 = tpu.memref_squeeze %dma_wait3A_177 : memref<1x50x128xf32, #tpu.memory_space<vmem>> -> memref<50x128xf32, #tpu.memory_space<vmem>>
      %dma_wait3A_179 = arith.constant 0 : i32
      %dma_wait3A_180 = tpu.memref_slice %arg5[%dma_wait3A_173, %dma_wait3A_179] : memref<512x50xi32, #tpu.memory_space<vmem>> -> memref<1x50xi32, #tpu.memory_space<vmem>>
      %dma_wait3A_181 = tpu.memref_squeeze %dma_wait3A_180 : memref<1x50xi32, #tpu.memory_space<vmem>> -> memref<50xi32, #tpu.memory_space<vmem>>
      %dma_wait3A_182 = arith.constant 0 : i32
      %dma_wait3A_183 = arith.constant 0 : i32
      %dma_wait3A_184 = tpu.memref_slice %arg2[%dma_wait3A_182, %dma_wait3A_183] : memref<1000000x128xf32, #tpu.memory_space<hbm>> -> memref<1000000x128xf32, #tpu.memory_space<hbm>>
      tpu.wait_indirect_dma semaphore(%arg8 : memref<!tpu.dma_semaphore, #tpu.memory_space<semaphore_mem>>) src(%dma_wait3A_184 : memref<1000000x128xf32, #tpu.memory_space<hbm>>) dst(%dma_wait3A_178 : memref<50x128xf32, #tpu.memory_space<vmem>>)
      %add3A_185 = arith.addi %mul3A_2, %add3A_172 : i32
      %dma_start3A_186 = arith.constant 1 : i32
      %dma_start3A_187 = arith.constant 0 : i32
      %dma_start3A_188 = arith.constant 0 : i32
      %dma_start3A_189 = tpu.memref_slice %arg6[%dma_start3A_186, %dma_start3A_187, %dma_start3A_188] : memref<8x50x128xf32, #tpu.memory_space<vmem>> -> memref<1x50x128xf32, #tpu.memory_space<vmem>>
      %dma_start3A_190 = tpu.memref_squeeze %dma_start3A_189 : memref<1x50x128xf32, #tpu.memory_space<vmem>> -> memref<50x128xf32, #tpu.memory_space<vmem>>
      %dma_start3A_191 = arith.constant 0 : i32
      %dma_start3A_192 = arith.constant 0 : i32
      %dma_start3A_193 = tpu.memref_slice %arg4[%add3A_185, %dma_start3A_191, %dma_start3A_192] : memref<16384x50x128xf32, #tpu.memory_space<hbm>> -> memref<1x50x128xf32, #tpu.memory_space<hbm>>
      %dma_start3A_194 = tpu.memref_squeeze %dma_start3A_193 : memref<1x50x128xf32, #tpu.memory_space<hbm>> -> memref<50x128xf32, #tpu.memory_space<hbm>>
      %dma_start3A_195 = arith.constant 0 : i32
      %dma_start3A_196 = arith.constant 0 : i32
      %dma_start3A_197 = tpu.memref_slice %arg4[%add3A_185, %dma_start3A_195, %dma_start3A_196] : memref<16384x50x128xf32, #tpu.memory_space<hbm>> -> memref<1x50x128xf32, #tpu.memory_space<hbm>>
      %dma_start3A_198 = tpu.memref_squeeze %dma_start3A_197 : memref<1x50x128xf32, #tpu.memory_space<hbm>> -> memref<50x128xf32, #tpu.memory_space<hbm>>
      %dma_start3A_199 = arith.constant 0 : i32
      %dma_start3A_200 = arith.constant 0 : i32
      %dma_start3A_201 = tpu.memref_slice %arg6[%dma_start3A_186, %dma_start3A_199, %dma_start3A_200] : memref<8x50x128xf32, #tpu.memory_space<vmem>> -> memref<1x50x128xf32, #tpu.memory_space<vmem>>
      %dma_start3A_202 = tpu.memref_squeeze %dma_start3A_201 : memref<1x50x128xf32, #tpu.memory_space<vmem>> -> memref<50x128xf32, #tpu.memory_space<vmem>>
      tpu.enqueue_dma source(%dma_start3A_202 : memref<50x128xf32, #tpu.memory_space<vmem>>) target(%dma_start3A_198 : memref<50x128xf32, #tpu.memory_space<hbm>>) target_semaphore(%arg16 : memref<!tpu.dma_semaphore, #tpu.memory_space<semaphore_mem>>)
      %ge3A_203 = arith.constant 4 : i32
      %ge3A_204 = arith.cmpi sge, %add3A_172, %ge3A_203 : i32
      %convert_element_type3A_205 = arith.extui %ge3A_204 : i1 to i32
      %cond3A_206 = arith.constant 0 : i32
      %cond3A_207 = arith.cmpi ne, %convert_element_type3A_205, %cond3A_206 : i32
      scf.if %cond3A_207 {
        %dma_wait3A_491 = arith.constant 5 : i32
        %dma_wait3A_492 = arith.constant 0 : i32
        %dma_wait3A_493 = arith.constant 0 : i32
        %dma_wait3A_494 = arith.constant 0 : i32
        %dma_wait3A_495 = tpu.memref_slice %arg6[%dma_wait3A_491, %dma_wait3A_493, %dma_wait3A_494] : memref<8x50x128xf32, #tpu.memory_space<vmem>> -> memref<1x50x128xf32, #tpu.memory_space<vmem>>
        %dma_wait3A_496 = tpu.memref_squeeze %dma_wait3A_495 : memref<1x50x128xf32, #tpu.memory_space<vmem>> -> memref<50x128xf32, #tpu.memory_space<vmem>>
        %dma_wait3A_497 = arith.constant 0 : i32
        %dma_wait3A_498 = arith.constant 0 : i32
        %dma_wait3A_499 = tpu.memref_slice %arg4[%dma_wait3A_492, %dma_wait3A_497, %dma_wait3A_498] : memref<16384x50x128xf32, #tpu.memory_space<hbm>> -> memref<1x50x128xf32, #tpu.memory_space<hbm>>
        %dma_wait3A_500 = tpu.memref_squeeze %dma_wait3A_499 : memref<1x50x128xf32, #tpu.memory_space<hbm>> -> memref<50x128xf32, #tpu.memory_space<hbm>>
        %dma_wait3A_501 = arith.constant 0 : i32
        %dma_wait3A_502 = arith.constant 0 : i32
        %dma_wait3A_503 = tpu.memref_slice %arg4[%dma_wait3A_492, %dma_wait3A_501, %dma_wait3A_502] : memref<16384x50x128xf32, #tpu.memory_space<hbm>> -> memref<1x50x128xf32, #tpu.memory_space<hbm>>
        %dma_wait3A_504 = tpu.memref_squeeze %dma_wait3A_503 : memref<1x50x128xf32, #tpu.memory_space<hbm>> -> memref<50x128xf32, #tpu.memory_space<hbm>>
        %dma_wait3A_505 = arith.constant 0 : i32
        %dma_wait3A_506 = arith.constant 0 : i32
        %dma_wait3A_507 = tpu.memref_slice %arg6[%dma_wait3A_491, %dma_wait3A_505, %dma_wait3A_506] : memref<8x50x128xf32, #tpu.memory_space<vmem>> -> memref<1x50x128xf32, #tpu.memory_space<vmem>>
        %dma_wait3A_508 = tpu.memref_squeeze %dma_wait3A_507 : memref<1x50x128xf32, #tpu.memory_space<vmem>> -> memref<50x128xf32, #tpu.memory_space<vmem>>
        tpu.wait_dma2 semaphore(%arg20 : memref<!tpu.dma_semaphore, #tpu.memory_space<semaphore_mem>>) src(%dma_wait3A_508 : memref<50x128xf32, #tpu.memory_space<vmem>>) dst(%dma_wait3A_504 : memref<50x128xf32, #tpu.memory_space<hbm>>)
      } else {
      }
      %add3A_208 = arith.constant 4 : i32
      %add3A_209 = arith.addi %add3A_172, %add3A_208 : i32
      %lt3A_210 = arith.constant 512 : i32
      %lt3A_211 = arith.cmpi slt, %add3A_209, %lt3A_210 : i32
      %convert_element_type3A_212 = arith.extui %lt3A_211 : i1 to i32
      %cond3A_213 = arith.constant 0 : i32
      %cond3A_214 = arith.cmpi ne, %convert_element_type3A_212, %cond3A_213 : i32
      scf.if %cond3A_214 {
        %add3A_491 = arith.constant 4 : i32
        %add3A_492 = arith.addi %add3A_172, %add3A_491 : i32
        %dma_start3A_493 = arith.constant 5 : i32
        %dma_start3A_494 = arith.constant 0 : i32
        %dma_start3A_495 = arith.constant 0 : i32
        %dma_start3A_496 = tpu.memref_slice %arg6[%dma_start3A_493, %dma_start3A_494, %dma_start3A_495] : memref<8x50x128xf32, #tpu.memory_space<vmem>> -> memref<1x50x128xf32, #tpu.memory_space<vmem>>
        %dma_start3A_497 = tpu.memref_squeeze %dma_start3A_496 : memref<1x50x128xf32, #tpu.memory_space<vmem>> -> memref<50x128xf32, #tpu.memory_space<vmem>>
        %dma_start3A_498 = arith.constant 0 : i32
        %dma_start3A_499 = tpu.memref_slice %arg5[%add3A_492, %dma_start3A_498] : memref<512x50xi32, #tpu.memory_space<vmem>> -> memref<1x50xi32, #tpu.memory_space<vmem>>
        %dma_start3A_500 = tpu.memref_squeeze %dma_start3A_499 : memref<1x50xi32, #tpu.memory_space<vmem>> -> memref<50xi32, #tpu.memory_space<vmem>>
        %dma_start3A_501 = arith.constant 0 : i32
        %dma_start3A_502 = arith.constant 0 : i32
        %dma_start3A_503 = tpu.memref_slice %arg2[%dma_start3A_501, %dma_start3A_502] : memref<1000000x128xf32, #tpu.memory_space<hbm>> -> memref<1000000x128xf32, #tpu.memory_space<hbm>>
        tpu.enqueue_indirect_dma source(%dma_start3A_503 : memref<1000000x128xf32, #tpu.memory_space<hbm>>) target(%dma_start3A_497 : memref<50x128xf32, #tpu.memory_space<vmem>>) offsets(%dma_start3A_500 : memref<50xi32, #tpu.memory_space<vmem>>) semaphore(%arg12 : memref<!tpu.dma_semaphore, #tpu.memory_space<semaphore_mem>>)
      } else {
      }
      %mul3A_215 = arith.constant 8 : i32
      %mul3A_216 = arith.muli %scan3A_126, %mul3A_215 : i32
      %add3A_217 = arith.constant 2 : i32
      %add3A_218 = arith.addi %mul3A_216, %add3A_217 : i32
      %dma_wait3A_219 = arith.constant 0 : i32
      %dma_wait3A_220 = arith.constant 2 : i32
      %dma_wait3A_221 = arith.constant 0 : i32
      %dma_wait3A_222 = arith.constant 0 : i32
      %dma_wait3A_223 = tpu.memref_slice %arg6[%dma_wait3A_220, %dma_wait3A_221, %dma_wait3A_222] : memref<8x50x128xf32, #tpu.memory_space<vmem>> -> memref<1x50x128xf32, #tpu.memory_space<vmem>>
      %dma_wait3A_224 = tpu.memref_squeeze %dma_wait3A_223 : memref<1x50x128xf32, #tpu.memory_space<vmem>> -> memref<50x128xf32, #tpu.memory_space<vmem>>
      %dma_wait3A_225 = arith.constant 0 : i32
      %dma_wait3A_226 = tpu.memref_slice %arg5[%dma_wait3A_219, %dma_wait3A_225] : memref<512x50xi32, #tpu.memory_space<vmem>> -> memref<1x50xi32, #tpu.memory_space<vmem>>
      %dma_wait3A_227 = tpu.memref_squeeze %dma_wait3A_226 : memref<1x50xi32, #tpu.memory_space<vmem>> -> memref<50xi32, #tpu.memory_space<vmem>>
      %dma_wait3A_228 = arith.constant 0 : i32
      %dma_wait3A_229 = arith.constant 0 : i32
      %dma_wait3A_230 = tpu.memref_slice %arg2[%dma_wait3A_228, %dma_wait3A_229] : memref<1000000x128xf32, #tpu.memory_space<hbm>> -> memref<1000000x128xf32, #tpu.memory_space<hbm>>
      tpu.wait_indirect_dma semaphore(%arg9 : memref<!tpu.dma_semaphore, #tpu.memory_space<semaphore_mem>>) src(%dma_wait3A_230 : memref<1000000x128xf32, #tpu.memory_space<hbm>>) dst(%dma_wait3A_224 : memref<50x128xf32, #tpu.memory_space<vmem>>)
      %add3A_231 = arith.addi %mul3A_2, %add3A_218 : i32
      %dma_start3A_232 = arith.constant 2 : i32
      %dma_start3A_233 = arith.constant 0 : i32
      %dma_start3A_234 = arith.constant 0 : i32
      %dma_start3A_235 = tpu.memref_slice %arg6[%dma_start3A_232, %dma_start3A_233, %dma_start3A_234] : memref<8x50x128xf32, #tpu.memory_space<vmem>> -> memref<1x50x128xf32, #tpu.memory_space<vmem>>
      %dma_start3A_236 = tpu.memref_squeeze %dma_start3A_235 : memref<1x50x128xf32, #tpu.memory_space<vmem>> -> memref<50x128xf32, #tpu.memory_space<vmem>>
      %dma_start3A_237 = arith.constant 0 : i32
      %dma_start3A_238 = arith.constant 0 : i32
      %dma_start3A_239 = tpu.memref_slice %arg4[%add3A_231, %dma_start3A_237, %dma_start3A_238] : memref<16384x50x128xf32, #tpu.memory_space<hbm>> -> memref<1x50x128xf32, #tpu.memory_space<hbm>>
      %dma_start3A_240 = tpu.memref_squeeze %dma_start3A_239 : memref<1x50x128xf32, #tpu.memory_space<hbm>> -> memref<50x128xf32, #tpu.memory_space<hbm>>
      %dma_start3A_241 = arith.constant 0 : i32
      %dma_start3A_242 = arith.constant 0 : i32
      %dma_start3A_243 = tpu.memref_slice %arg4[%add3A_231, %dma_start3A_241, %dma_start3A_242] : memref<16384x50x128xf32, #tpu.memory_space<hbm>> -> memref<1x50x128xf32, #tpu.memory_space<hbm>>
      %dma_start3A_244 = tpu.memref_squeeze %dma_start3A_243 : memref<1x50x128xf32, #tpu.memory_space<hbm>> -> memref<50x128xf32, #tpu.memory_space<hbm>>
      %dma_start3A_245 = arith.constant 0 : i32
      %dma_start3A_246 = arith.constant 0 : i32
      %dma_start3A_247 = tpu.memref_slice %arg6[%dma_start3A_232, %dma_start3A_245, %dma_start3A_246] : memref<8x50x128xf32, #tpu.memory_space<vmem>> -> memref<1x50x128xf32, #tpu.memory_space<vmem>>
      %dma_start3A_248 = tpu.memref_squeeze %dma_start3A_247 : memref<1x50x128xf32, #tpu.memory_space<vmem>> -> memref<50x128xf32, #tpu.memory_space<vmem>>
      tpu.enqueue_dma source(%dma_start3A_248 : memref<50x128xf32, #tpu.memory_space<vmem>>) target(%dma_start3A_244 : memref<50x128xf32, #tpu.memory_space<hbm>>) target_semaphore(%arg17 : memref<!tpu.dma_semaphore, #tpu.memory_space<semaphore_mem>>)
      %ge3A_249 = arith.constant 4 : i32
      %ge3A_250 = arith.cmpi sge, %add3A_218, %ge3A_249 : i32
      %convert_element_type3A_251 = arith.extui %ge3A_250 : i1 to i32
      %cond3A_252 = arith.constant 0 : i32
      %cond3A_253 = arith.cmpi ne, %convert_element_type3A_251, %cond3A_252 : i32
      scf.if %cond3A_253 {
        %dma_wait3A_491 = arith.constant 6 : i32
        %dma_wait3A_492 = arith.constant 0 : i32
        %dma_wait3A_493 = arith.constant 0 : i32
        %dma_wait3A_494 = arith.constant 0 : i32
        %dma_wait3A_495 = tpu.memref_slice %arg6[%dma_wait3A_491, %dma_wait3A_493, %dma_wait3A_494] : memref<8x50x128xf32, #tpu.memory_space<vmem>> -> memref<1x50x128xf32, #tpu.memory_space<vmem>>
        %dma_wait3A_496 = tpu.memref_squeeze %dma_wait3A_495 : memref<1x50x128xf32, #tpu.memory_space<vmem>> -> memref<50x128xf32, #tpu.memory_space<vmem>>
        %dma_wait3A_497 = arith.constant 0 : i32
        %dma_wait3A_498 = arith.constant 0 : i32
        %dma_wait3A_499 = tpu.memref_slice %arg4[%dma_wait3A_492, %dma_wait3A_497, %dma_wait3A_498] : memref<16384x50x128xf32, #tpu.memory_space<hbm>> -> memref<1x50x128xf32, #tpu.memory_space<hbm>>
        %dma_wait3A_500 = tpu.memref_squeeze %dma_wait3A_499 : memref<1x50x128xf32, #tpu.memory_space<hbm>> -> memref<50x128xf32, #tpu.memory_space<hbm>>
        %dma_wait3A_501 = arith.constant 0 : i32
        %dma_wait3A_502 = arith.constant 0 : i32
        %dma_wait3A_503 = tpu.memref_slice %arg4[%dma_wait3A_492, %dma_wait3A_501, %dma_wait3A_502] : memref<16384x50x128xf32, #tpu.memory_space<hbm>> -> memref<1x50x128xf32, #tpu.memory_space<hbm>>
        %dma_wait3A_504 = tpu.memref_squeeze %dma_wait3A_503 : memref<1x50x128xf32, #tpu.memory_space<hbm>> -> memref<50x128xf32, #tpu.memory_space<hbm>>
        %dma_wait3A_505 = arith.constant 0 : i32
        %dma_wait3A_506 = arith.constant 0 : i32
        %dma_wait3A_507 = tpu.memref_slice %arg6[%dma_wait3A_491, %dma_wait3A_505, %dma_wait3A_506] : memref<8x50x128xf32, #tpu.memory_space<vmem>> -> memref<1x50x128xf32, #tpu.memory_space<vmem>>
        %dma_wait3A_508 = tpu.memref_squeeze %dma_wait3A_507 : memref<1x50x128xf32, #tpu.memory_space<vmem>> -> memref<50x128xf32, #tpu.memory_space<vmem>>
        tpu.wait_dma2 semaphore(%arg21 : memref<!tpu.dma_semaphore, #tpu.memory_space<semaphore_mem>>) src(%dma_wait3A_508 : memref<50x128xf32, #tpu.memory_space<vmem>>) dst(%dma_wait3A_504 : memref<50x128xf32, #tpu.memory_space<hbm>>)
      } else {
      }
      %add3A_254 = arith.constant 4 : i32
      %add3A_255 = arith.addi %add3A_218, %add3A_254 : i32
      %lt3A_256 = arith.constant 512 : i32
      %lt3A_257 = arith.cmpi slt, %add3A_255, %lt3A_256 : i32
      %convert_element_type3A_258 = arith.extui %lt3A_257 : i1 to i32
      %cond3A_259 = arith.constant 0 : i32
      %cond3A_260 = arith.cmpi ne, %convert_element_type3A_258, %cond3A_259 : i32
      scf.if %cond3A_260 {
        %add3A_491 = arith.constant 4 : i32
        %add3A_492 = arith.addi %add3A_218, %add3A_491 : i32
        %dma_start3A_493 = arith.constant 6 : i32
        %dma_start3A_494 = arith.constant 0 : i32
        %dma_start3A_495 = arith.constant 0 : i32
        %dma_start3A_496 = tpu.memref_slice %arg6[%dma_start3A_493, %dma_start3A_494, %dma_start3A_495] : memref<8x50x128xf32, #tpu.memory_space<vmem>> -> memref<1x50x128xf32, #tpu.memory_space<vmem>>
        %dma_start3A_497 = tpu.memref_squeeze %dma_start3A_496 : memref<1x50x128xf32, #tpu.memory_space<vmem>> -> memref<50x128xf32, #tpu.memory_space<vmem>>
        %dma_start3A_498 = arith.constant 0 : i32
        %dma_start3A_499 = tpu.memref_slice %arg5[%add3A_492, %dma_start3A_498] : memref<512x50xi32, #tpu.memory_space<vmem>> -> memref<1x50xi32, #tpu.memory_space<vmem>>
        %dma_start3A_500 = tpu.memref_squeeze %dma_start3A_499 : memref<1x50xi32, #tpu.memory_space<vmem>> -> memref<50xi32, #tpu.memory_space<vmem>>
        %dma_start3A_501 = arith.constant 0 : i32
        %dma_start3A_502 = arith.constant 0 : i32
        %dma_start3A_503 = tpu.memref_slice %arg2[%dma_start3A_501, %dma_start3A_502] : memref<1000000x128xf32, #tpu.memory_space<hbm>> -> memref<1000000x128xf32, #tpu.memory_space<hbm>>
        tpu.enqueue_indirect_dma source(%dma_start3A_503 : memref<1000000x128xf32, #tpu.memory_space<hbm>>) target(%dma_start3A_497 : memref<50x128xf32, #tpu.memory_space<vmem>>) offsets(%dma_start3A_500 : memref<50xi32, #tpu.memory_space<vmem>>) semaphore(%arg13 : memref<!tpu.dma_semaphore, #tpu.memory_space<semaphore_mem>>)
      } else {
      }
      %mul3A_261 = arith.constant 8 : i32
      %mul3A_262 = arith.muli %scan3A_126, %mul3A_261 : i32
      %add3A_263 = arith.constant 3 : i32
      %add3A_264 = arith.addi %mul3A_262, %add3A_263 : i32
      %dma_wait3A_265 = arith.constant 0 : i32
      %dma_wait3A_266 = arith.constant 3 : i32
      %dma_wait3A_267 = arith.constant 0 : i32
      %dma_wait3A_268 = arith.constant 0 : i32
      %dma_wait3A_269 = tpu.memref_slice %arg6[%dma_wait3A_266, %dma_wait3A_267, %dma_wait3A_268] : memref<8x50x128xf32, #tpu.memory_space<vmem>> -> memref<1x50x128xf32, #tpu.memory_space<vmem>>
      %dma_wait3A_270 = tpu.memref_squeeze %dma_wait3A_269 : memref<1x50x128xf32, #tpu.memory_space<vmem>> -> memref<50x128xf32, #tpu.memory_space<vmem>>
      %dma_wait3A_271 = arith.constant 0 : i32
      %dma_wait3A_272 = tpu.memref_slice %arg5[%dma_wait3A_265, %dma_wait3A_271] : memref<512x50xi32, #tpu.memory_space<vmem>> -> memref<1x50xi32, #tpu.memory_space<vmem>>
      %dma_wait3A_273 = tpu.memref_squeeze %dma_wait3A_272 : memref<1x50xi32, #tpu.memory_space<vmem>> -> memref<50xi32, #tpu.memory_space<vmem>>
      %dma_wait3A_274 = arith.constant 0 : i32
      %dma_wait3A_275 = arith.constant 0 : i32
      %dma_wait3A_276 = tpu.memref_slice %arg2[%dma_wait3A_274, %dma_wait3A_275] : memref<1000000x128xf32, #tpu.memory_space<hbm>> -> memref<1000000x128xf32, #tpu.memory_space<hbm>>
      tpu.wait_indirect_dma semaphore(%arg10 : memref<!tpu.dma_semaphore, #tpu.memory_space<semaphore_mem>>) src(%dma_wait3A_276 : memref<1000000x128xf32, #tpu.memory_space<hbm>>) dst(%dma_wait3A_270 : memref<50x128xf32, #tpu.memory_space<vmem>>)
      %add3A_277 = arith.addi %mul3A_2, %add3A_264 : i32
      %dma_start3A_278 = arith.constant 3 : i32
      %dma_start3A_279 = arith.constant 0 : i32
      %dma_start3A_280 = arith.constant 0 : i32
      %dma_start3A_281 = tpu.memref_slice %arg6[%dma_start3A_278, %dma_start3A_279, %dma_start3A_280] : memref<8x50x128xf32, #tpu.memory_space<vmem>> -> memref<1x50x128xf32, #tpu.memory_space<vmem>>
      %dma_start3A_282 = tpu.memref_squeeze %dma_start3A_281 : memref<1x50x128xf32, #tpu.memory_space<vmem>> -> memref<50x128xf32, #tpu.memory_space<vmem>>
      %dma_start3A_283 = arith.constant 0 : i32
      %dma_start3A_284 = arith.constant 0 : i32
      %dma_start3A_285 = tpu.memref_slice %arg4[%add3A_277, %dma_start3A_283, %dma_start3A_284] : memref<16384x50x128xf32, #tpu.memory_space<hbm>> -> memref<1x50x128xf32, #tpu.memory_space<hbm>>
      %dma_start3A_286 = tpu.memref_squeeze %dma_start3A_285 : memref<1x50x128xf32, #tpu.memory_space<hbm>> -> memref<50x128xf32, #tpu.memory_space<hbm>>
      %dma_start3A_287 = arith.constant 0 : i32
      %dma_start3A_288 = arith.constant 0 : i32
      %dma_start3A_289 = tpu.memref_slice %arg4[%add3A_277, %dma_start3A_287, %dma_start3A_288] : memref<16384x50x128xf32, #tpu.memory_space<hbm>> -> memref<1x50x128xf32, #tpu.memory_space<hbm>>
      %dma_start3A_290 = tpu.memref_squeeze %dma_start3A_289 : memref<1x50x128xf32, #tpu.memory_space<hbm>> -> memref<50x128xf32, #tpu.memory_space<hbm>>
      %dma_start3A_291 = arith.constant 0 : i32
      %dma_start3A_292 = arith.constant 0 : i32
      %dma_start3A_293 = tpu.memref_slice %arg6[%dma_start3A_278, %dma_start3A_291, %dma_start3A_292] : memref<8x50x128xf32, #tpu.memory_space<vmem>> -> memref<1x50x128xf32, #tpu.memory_space<vmem>>
      %dma_start3A_294 = tpu.memref_squeeze %dma_start3A_293 : memref<1x50x128xf32, #tpu.memory_space<vmem>> -> memref<50x128xf32, #tpu.memory_space<vmem>>
      tpu.enqueue_dma source(%dma_start3A_294 : memref<50x128xf32, #tpu.memory_space<vmem>>) target(%dma_start3A_290 : memref<50x128xf32, #tpu.memory_space<hbm>>) target_semaphore(%arg18 : memref<!tpu.dma_semaphore, #tpu.memory_space<semaphore_mem>>)
      %ge3A_295 = arith.constant 4 : i32
      %ge3A_296 = arith.cmpi sge, %add3A_264, %ge3A_295 : i32
      %convert_element_type3A_297 = arith.extui %ge3A_296 : i1 to i32
      %cond3A_298 = arith.constant 0 : i32
      %cond3A_299 = arith.cmpi ne, %convert_element_type3A_297, %cond3A_298 : i32
      scf.if %cond3A_299 {
        %dma_wait3A_491 = arith.constant 7 : i32
        %dma_wait3A_492 = arith.constant 0 : i32
        %dma_wait3A_493 = arith.constant 0 : i32
        %dma_wait3A_494 = arith.constant 0 : i32
        %dma_wait3A_495 = tpu.memref_slice %arg6[%dma_wait3A_491, %dma_wait3A_493, %dma_wait3A_494] : memref<8x50x128xf32, #tpu.memory_space<vmem>> -> memref<1x50x128xf32, #tpu.memory_space<vmem>>
        %dma_wait3A_496 = tpu.memref_squeeze %dma_wait3A_495 : memref<1x50x128xf32, #tpu.memory_space<vmem>> -> memref<50x128xf32, #tpu.memory_space<vmem>>
        %dma_wait3A_497 = arith.constant 0 : i32
        %dma_wait3A_498 = arith.constant 0 : i32
        %dma_wait3A_499 = tpu.memref_slice %arg4[%dma_wait3A_492, %dma_wait3A_497, %dma_wait3A_498] : memref<16384x50x128xf32, #tpu.memory_space<hbm>> -> memref<1x50x128xf32, #tpu.memory_space<hbm>>
        %dma_wait3A_500 = tpu.memref_squeeze %dma_wait3A_499 : memref<1x50x128xf32, #tpu.memory_space<hbm>> -> memref<50x128xf32, #tpu.memory_space<hbm>>
        %dma_wait3A_501 = arith.constant 0 : i32
        %dma_wait3A_502 = arith.constant 0 : i32
        %dma_wait3A_503 = tpu.memref_slice %arg4[%dma_wait3A_492, %dma_wait3A_501, %dma_wait3A_502] : memref<16384x50x128xf32, #tpu.memory_space<hbm>> -> memref<1x50x128xf32, #tpu.memory_space<hbm>>
        %dma_wait3A_504 = tpu.memref_squeeze %dma_wait3A_503 : memref<1x50x128xf32, #tpu.memory_space<hbm>> -> memref<50x128xf32, #tpu.memory_space<hbm>>
        %dma_wait3A_505 = arith.constant 0 : i32
        %dma_wait3A_506 = arith.constant 0 : i32
        %dma_wait3A_507 = tpu.memref_slice %arg6[%dma_wait3A_491, %dma_wait3A_505, %dma_wait3A_506] : memref<8x50x128xf32, #tpu.memory_space<vmem>> -> memref<1x50x128xf32, #tpu.memory_space<vmem>>
        %dma_wait3A_508 = tpu.memref_squeeze %dma_wait3A_507 : memref<1x50x128xf32, #tpu.memory_space<vmem>> -> memref<50x128xf32, #tpu.memory_space<vmem>>
        tpu.wait_dma2 semaphore(%arg22 : memref<!tpu.dma_semaphore, #tpu.memory_space<semaphore_mem>>) src(%dma_wait3A_508 : memref<50x128xf32, #tpu.memory_space<vmem>>) dst(%dma_wait3A_504 : memref<50x128xf32, #tpu.memory_space<hbm>>)
      } else {
      }
      %add3A_300 = arith.constant 4 : i32
      %add3A_301 = arith.addi %add3A_264, %add3A_300 : i32
      %lt3A_302 = arith.constant 512 : i32
      %lt3A_303 = arith.cmpi slt, %add3A_301, %lt3A_302 : i32
      %convert_element_type3A_304 = arith.extui %lt3A_303 : i1 to i32
      %cond3A_305 = arith.constant 0 : i32
      %cond3A_306 = arith.cmpi ne, %convert_element_type3A_304, %cond3A_305 : i32
      scf.if %cond3A_306 {
        %add3A_491 = arith.constant 4 : i32
        %add3A_492 = arith.addi %add3A_264, %add3A_491 : i32
        %dma_start3A_493 = arith.constant 7 : i32
        %dma_start3A_494 = arith.constant 0 : i32
        %dma_start3A_495 = arith.constant 0 : i32
        %dma_start3A_496 = tpu.memref_slice %arg6[%dma_start3A_493, %dma_start3A_494, %dma_start3A_495] : memref<8x50x128xf32, #tpu.memory_space<vmem>> -> memref<1x50x128xf32, #tpu.memory_space<vmem>>
        %dma_start3A_497 = tpu.memref_squeeze %dma_start3A_496 : memref<1x50x128xf32, #tpu.memory_space<vmem>> -> memref<50x128xf32, #tpu.memory_space<vmem>>
        %dma_start3A_498 = arith.constant 0 : i32
        %dma_start3A_499 = tpu.memref_slice %arg5[%add3A_492, %dma_start3A_498] : memref<512x50xi32, #tpu.memory_space<vmem>> -> memref<1x50xi32, #tpu.memory_space<vmem>>
        %dma_start3A_500 = tpu.memref_squeeze %dma_start3A_499 : memref<1x50xi32, #tpu.memory_space<vmem>> -> memref<50xi32, #tpu.memory_space<vmem>>
        %dma_start3A_501 = arith.constant 0 : i32
        %dma_start3A_502 = arith.constant 0 : i32
        %dma_start3A_503 = tpu.memref_slice %arg2[%dma_start3A_501, %dma_start3A_502] : memref<1000000x128xf32, #tpu.memory_space<hbm>> -> memref<1000000x128xf32, #tpu.memory_space<hbm>>
        tpu.enqueue_indirect_dma source(%dma_start3A_503 : memref<1000000x128xf32, #tpu.memory_space<hbm>>) target(%dma_start3A_497 : memref<50x128xf32, #tpu.memory_space<vmem>>) offsets(%dma_start3A_500 : memref<50xi32, #tpu.memory_space<vmem>>) semaphore(%arg14 : memref<!tpu.dma_semaphore, #tpu.memory_space<semaphore_mem>>)
      } else {
      }
      %mul3A_307 = arith.constant 8 : i32
      %mul3A_308 = arith.muli %scan3A_126, %mul3A_307 : i32
      %add3A_309 = arith.constant 4 : i32
      %add3A_310 = arith.addi %mul3A_308, %add3A_309 : i32
      %dma_wait3A_311 = arith.constant 0 : i32
      %dma_wait3A_312 = arith.constant 4 : i32
      %dma_wait3A_313 = arith.constant 0 : i32
      %dma_wait3A_314 = arith.constant 0 : i32
      %dma_wait3A_315 = tpu.memref_slice %arg6[%dma_wait3A_312, %dma_wait3A_313, %dma_wait3A_314] : memref<8x50x128xf32, #tpu.memory_space<vmem>> -> memref<1x50x128xf32, #tpu.memory_space<vmem>>
      %dma_wait3A_316 = tpu.memref_squeeze %dma_wait3A_315 : memref<1x50x128xf32, #tpu.memory_space<vmem>> -> memref<50x128xf32, #tpu.memory_space<vmem>>
      %dma_wait3A_317 = arith.constant 0 : i32
      %dma_wait3A_318 = tpu.memref_slice %arg5[%dma_wait3A_311, %dma_wait3A_317] : memref<512x50xi32, #tpu.memory_space<vmem>> -> memref<1x50xi32, #tpu.memory_space<vmem>>
      %dma_wait3A_319 = tpu.memref_squeeze %dma_wait3A_318 : memref<1x50xi32, #tpu.memory_space<vmem>> -> memref<50xi32, #tpu.memory_space<vmem>>
      %dma_wait3A_320 = arith.constant 0 : i32
      %dma_wait3A_321 = arith.constant 0 : i32
      %dma_wait3A_322 = tpu.memref_slice %arg2[%dma_wait3A_320, %dma_wait3A_321] : memref<1000000x128xf32, #tpu.memory_space<hbm>> -> memref<1000000x128xf32, #tpu.memory_space<hbm>>
      tpu.wait_indirect_dma semaphore(%arg11 : memref<!tpu.dma_semaphore, #tpu.memory_space<semaphore_mem>>) src(%dma_wait3A_322 : memref<1000000x128xf32, #tpu.memory_space<hbm>>) dst(%dma_wait3A_316 : memref<50x128xf32, #tpu.memory_space<vmem>>)
      %add3A_323 = arith.addi %mul3A_2, %add3A_310 : i32
      %dma_start3A_324 = arith.constant 4 : i32
      %dma_start3A_325 = arith.constant 0 : i32
      %dma_start3A_326 = arith.constant 0 : i32
      %dma_start3A_327 = tpu.memref_slice %arg6[%dma_start3A_324, %dma_start3A_325, %dma_start3A_326] : memref<8x50x128xf32, #tpu.memory_space<vmem>> -> memref<1x50x128xf32, #tpu.memory_space<vmem>>
      %dma_start3A_328 = tpu.memref_squeeze %dma_start3A_327 : memref<1x50x128xf32, #tpu.memory_space<vmem>> -> memref<50x128xf32, #tpu.memory_space<vmem>>
      %dma_start3A_329 = arith.constant 0 : i32
      %dma_start3A_330 = arith.constant 0 : i32
      %dma_start3A_331 = tpu.memref_slice %arg4[%add3A_323, %dma_start3A_329, %dma_start3A_330] : memref<16384x50x128xf32, #tpu.memory_space<hbm>> -> memref<1x50x128xf32, #tpu.memory_space<hbm>>
      %dma_start3A_332 = tpu.memref_squeeze %dma_start3A_331 : memref<1x50x128xf32, #tpu.memory_space<hbm>> -> memref<50x128xf32, #tpu.memory_space<hbm>>
      %dma_start3A_333 = arith.constant 0 : i32
      %dma_start3A_334 = arith.constant 0 : i32
      %dma_start3A_335 = tpu.memref_slice %arg4[%add3A_323, %dma_start3A_333, %dma_start3A_334] : memref<16384x50x128xf32, #tpu.memory_space<hbm>> -> memref<1x50x128xf32, #tpu.memory_space<hbm>>
      %dma_start3A_336 = tpu.memref_squeeze %dma_start3A_335 : memref<1x50x128xf32, #tpu.memory_space<hbm>> -> memref<50x128xf32, #tpu.memory_space<hbm>>
      %dma_start3A_337 = arith.constant 0 : i32
      %dma_start3A_338 = arith.constant 0 : i32
      %dma_start3A_339 = tpu.memref_slice %arg6[%dma_start3A_324, %dma_start3A_337, %dma_start3A_338] : memref<8x50x128xf32, #tpu.memory_space<vmem>> -> memref<1x50x128xf32, #tpu.memory_space<vmem>>
      %dma_start3A_340 = tpu.memref_squeeze %dma_start3A_339 : memref<1x50x128xf32, #tpu.memory_space<vmem>> -> memref<50x128xf32, #tpu.memory_space<vmem>>
      tpu.enqueue_dma source(%dma_start3A_340 : memref<50x128xf32, #tpu.memory_space<vmem>>) target(%dma_start3A_336 : memref<50x128xf32, #tpu.memory_space<hbm>>) target_semaphore(%arg19 : memref<!tpu.dma_semaphore, #tpu.memory_space<semaphore_mem>>)
      %ge3A_341 = arith.constant 4 : i32
      %ge3A_342 = arith.cmpi sge, %add3A_310, %ge3A_341 : i32
      %convert_element_type3A_343 = arith.extui %ge3A_342 : i1 to i32
      %cond3A_344 = arith.constant 0 : i32
      %cond3A_345 = arith.cmpi ne, %convert_element_type3A_343, %cond3A_344 : i32
      scf.if %cond3A_345 {
        %dma_wait3A_491 = arith.constant 0 : i32
        %dma_wait3A_492 = arith.constant 0 : i32
        %dma_wait3A_493 = arith.constant 0 : i32
        %dma_wait3A_494 = arith.constant 0 : i32
        %dma_wait3A_495 = tpu.memref_slice %arg6[%dma_wait3A_491, %dma_wait3A_493, %dma_wait3A_494] : memref<8x50x128xf32, #tpu.memory_space<vmem>> -> memref<1x50x128xf32, #tpu.memory_space<vmem>>
        %dma_wait3A_496 = tpu.memref_squeeze %dma_wait3A_495 : memref<1x50x128xf32, #tpu.memory_space<vmem>> -> memref<50x128xf32, #tpu.memory_space<vmem>>
        %dma_wait3A_497 = arith.constant 0 : i32
        %dma_wait3A_498 = arith.constant 0 : i32
        %dma_wait3A_499 = tpu.memref_slice %arg4[%dma_wait3A_492, %dma_wait3A_497, %dma_wait3A_498] : memref<16384x50x128xf32, #tpu.memory_space<hbm>> -> memref<1x50x128xf32, #tpu.memory_space<hbm>>
        %dma_wait3A_500 = tpu.memref_squeeze %dma_wait3A_499 : memref<1x50x128xf32, #tpu.memory_space<hbm>> -> memref<50x128xf32, #tpu.memory_space<hbm>>
        %dma_wait3A_501 = arith.constant 0 : i32
        %dma_wait3A_502 = arith.constant 0 : i32
        %dma_wait3A_503 = tpu.memref_slice %arg4[%dma_wait3A_492, %dma_wait3A_501, %dma_wait3A_502] : memref<16384x50x128xf32, #tpu.memory_space<hbm>> -> memref<1x50x128xf32, #tpu.memory_space<hbm>>
        %dma_wait3A_504 = tpu.memref_squeeze %dma_wait3A_503 : memref<1x50x128xf32, #tpu.memory_space<hbm>> -> memref<50x128xf32, #tpu.memory_space<hbm>>
        %dma_wait3A_505 = arith.constant 0 : i32
        %dma_wait3A_506 = arith.constant 0 : i32
        %dma_wait3A_507 = tpu.memref_slice %arg6[%dma_wait3A_491, %dma_wait3A_505, %dma_wait3A_506] : memref<8x50x128xf32, #tpu.memory_space<vmem>> -> memref<1x50x128xf32, #tpu.memory_space<vmem>>
        %dma_wait3A_508 = tpu.memref_squeeze %dma_wait3A_507 : memref<1x50x128xf32, #tpu.memory_space<vmem>> -> memref<50x128xf32, #tpu.memory_space<vmem>>
        tpu.wait_dma2 semaphore(%arg15 : memref<!tpu.dma_semaphore, #tpu.memory_space<semaphore_mem>>) src(%dma_wait3A_508 : memref<50x128xf32, #tpu.memory_space<vmem>>) dst(%dma_wait3A_504 : memref<50x128xf32, #tpu.memory_space<hbm>>)
      } else {
      }
      %add3A_346 = arith.constant 4 : i32
      %add3A_347 = arith.addi %add3A_310, %add3A_346 : i32
      %lt3A_348 = arith.constant 512 : i32
      %lt3A_349 = arith.cmpi slt, %add3A_347, %lt3A_348 : i32
      %convert_element_type3A_350 = arith.extui %lt3A_349 : i1 to i32
      %cond3A_351 = arith.constant 0 : i32
      %cond3A_352 = arith.cmpi ne, %convert_element_type3A_350, %cond3A_351 : i32
      scf.if %cond3A_352 {
        %add3A_491 = arith.constant 4 : i32
        %add3A_492 = arith.addi %add3A_310, %add3A_491 : i32
        %dma_start3A_493 = arith.constant 0 : i32
        %dma_start3A_494 = arith.constant 0 : i32
        %dma_start3A_495 = arith.constant 0 : i32
        %dma_start3A_496 = tpu.memref_slice %arg6[%dma_start3A_493, %dma_start3A_494, %dma_start3A_495] : memref<8x50x128xf32, #tpu.memory_space<vmem>> -> memref<1x50x128xf32, #tpu.memory_space<vmem>>
        %dma_start3A_497 = tpu.memref_squeeze %dma_start3A_496 : memref<1x50x128xf32, #tpu.memory_space<vmem>> -> memref<50x128xf32, #tpu.memory_space<vmem>>
        %dma_start3A_498 = arith.constant 0 : i32
        %dma_start3A_499 = tpu.memref_slice %arg5[%add3A_492, %dma_start3A_498] : memref<512x50xi32, #tpu.memory_space<vmem>> -> memref<1x50xi32, #tpu.memory_space<vmem>>
        %dma_start3A_500 = tpu.memref_squeeze %dma_start3A_499 : memref<1x50xi32, #tpu.memory_space<vmem>> -> memref<50xi32, #tpu.memory_space<vmem>>
        %dma_start3A_501 = arith.constant 0 : i32
        %dma_start3A_502 = arith.constant 0 : i32
        %dma_start3A_503 = tpu.memref_slice %arg2[%dma_start3A_501, %dma_start3A_502] : memref<1000000x128xf32, #tpu.memory_space<hbm>> -> memref<1000000x128xf32, #tpu.memory_space<hbm>>
        tpu.enqueue_indirect_dma source(%dma_start3A_503 : memref<1000000x128xf32, #tpu.memory_space<hbm>>) target(%dma_start3A_497 : memref<50x128xf32, #tpu.memory_space<vmem>>) offsets(%dma_start3A_500 : memref<50xi32, #tpu.memory_space<vmem>>) semaphore(%arg7 : memref<!tpu.dma_semaphore, #tpu.memory_space<semaphore_mem>>)
      } else {
      }
      %mul3A_353 = arith.constant 8 : i32
      %mul3A_354 = arith.muli %scan3A_126, %mul3A_353 : i32
      %add3A_355 = arith.constant 5 : i32
      %add3A_356 = arith.addi %mul3A_354, %add3A_355 : i32
      %dma_wait3A_357 = arith.constant 0 : i32
      %dma_wait3A_358 = arith.constant 5 : i32
      %dma_wait3A_359 = arith.constant 0 : i32
      %dma_wait3A_360 = arith.constant 0 : i32
      %dma_wait3A_361 = tpu.memref_slice %arg6[%dma_wait3A_358, %dma_wait3A_359, %dma_wait3A_360] : memref<8x50x128xf32, #tpu.memory_space<vmem>> -> memref<1x50x128xf32, #tpu.memory_space<vmem>>
      %dma_wait3A_362 = tpu.memref_squeeze %dma_wait3A_361 : memref<1x50x128xf32, #tpu.memory_space<vmem>> -> memref<50x128xf32, #tpu.memory_space<vmem>>
      %dma_wait3A_363 = arith.constant 0 : i32
      %dma_wait3A_364 = tpu.memref_slice %arg5[%dma_wait3A_357, %dma_wait3A_363] : memref<512x50xi32, #tpu.memory_space<vmem>> -> memref<1x50xi32, #tpu.memory_space<vmem>>
      %dma_wait3A_365 = tpu.memref_squeeze %dma_wait3A_364 : memref<1x50xi32, #tpu.memory_space<vmem>> -> memref<50xi32, #tpu.memory_space<vmem>>
      %dma_wait3A_366 = arith.constant 0 : i32
      %dma_wait3A_367 = arith.constant 0 : i32
      %dma_wait3A_368 = tpu.memref_slice %arg2[%dma_wait3A_366, %dma_wait3A_367] : memref<1000000x128xf32, #tpu.memory_space<hbm>> -> memref<1000000x128xf32, #tpu.memory_space<hbm>>
      tpu.wait_indirect_dma semaphore(%arg12 : memref<!tpu.dma_semaphore, #tpu.memory_space<semaphore_mem>>) src(%dma_wait3A_368 : memref<1000000x128xf32, #tpu.memory_space<hbm>>) dst(%dma_wait3A_362 : memref<50x128xf32, #tpu.memory_space<vmem>>)
      %add3A_369 = arith.addi %mul3A_2, %add3A_356 : i32
      %dma_start3A_370 = arith.constant 5 : i32
      %dma_start3A_371 = arith.constant 0 : i32
      %dma_start3A_372 = arith.constant 0 : i32
      %dma_start3A_373 = tpu.memref_slice %arg6[%dma_start3A_370, %dma_start3A_371, %dma_start3A_372] : memref<8x50x128xf32, #tpu.memory_space<vmem>> -> memref<1x50x128xf32, #tpu.memory_space<vmem>>
      %dma_start3A_374 = tpu.memref_squeeze %dma_start3A_373 : memref<1x50x128xf32, #tpu.memory_space<vmem>> -> memref<50x128xf32, #tpu.memory_space<vmem>>
      %dma_start3A_375 = arith.constant 0 : i32
      %dma_start3A_376 = arith.constant 0 : i32
      %dma_start3A_377 = tpu.memref_slice %arg4[%add3A_369, %dma_start3A_375, %dma_start3A_376] : memref<16384x50x128xf32, #tpu.memory_space<hbm>> -> memref<1x50x128xf32, #tpu.memory_space<hbm>>
      %dma_start3A_378 = tpu.memref_squeeze %dma_start3A_377 : memref<1x50x128xf32, #tpu.memory_space<hbm>> -> memref<50x128xf32, #tpu.memory_space<hbm>>
      %dma_start3A_379 = arith.constant 0 : i32
      %dma_start3A_380 = arith.constant 0 : i32
      %dma_start3A_381 = tpu.memref_slice %arg4[%add3A_369, %dma_start3A_379, %dma_start3A_380] : memref<16384x50x128xf32, #tpu.memory_space<hbm>> -> memref<1x50x128xf32, #tpu.memory_space<hbm>>
      %dma_start3A_382 = tpu.memref_squeeze %dma_start3A_381 : memref<1x50x128xf32, #tpu.memory_space<hbm>> -> memref<50x128xf32, #tpu.memory_space<hbm>>
      %dma_start3A_383 = arith.constant 0 : i32
      %dma_start3A_384 = arith.constant 0 : i32
      %dma_start3A_385 = tpu.memref_slice %arg6[%dma_start3A_370, %dma_start3A_383, %dma_start3A_384] : memref<8x50x128xf32, #tpu.memory_space<vmem>> -> memref<1x50x128xf32, #tpu.memory_space<vmem>>
      %dma_start3A_386 = tpu.memref_squeeze %dma_start3A_385 : memref<1x50x128xf32, #tpu.memory_space<vmem>> -> memref<50x128xf32, #tpu.memory_space<vmem>>
      tpu.enqueue_dma source(%dma_start3A_386 : memref<50x128xf32, #tpu.memory_space<vmem>>) target(%dma_start3A_382 : memref<50x128xf32, #tpu.memory_space<hbm>>) target_semaphore(%arg20 : memref<!tpu.dma_semaphore, #tpu.memory_space<semaphore_mem>>)
      %ge3A_387 = arith.constant 4 : i32
      %ge3A_388 = arith.cmpi sge, %add3A_356, %ge3A_387 : i32
      %convert_element_type3A_389 = arith.extui %ge3A_388 : i1 to i32
      %cond3A_390 = arith.constant 0 : i32
      %cond3A_391 = arith.cmpi ne, %convert_element_type3A_389, %cond3A_390 : i32
      scf.if %cond3A_391 {
        %dma_wait3A_491 = arith.constant 1 : i32
        %dma_wait3A_492 = arith.constant 0 : i32
        %dma_wait3A_493 = arith.constant 0 : i32
        %dma_wait3A_494 = arith.constant 0 : i32
        %dma_wait3A_495 = tpu.memref_slice %arg6[%dma_wait3A_491, %dma_wait3A_493, %dma_wait3A_494] : memref<8x50x128xf32, #tpu.memory_space<vmem>> -> memref<1x50x128xf32, #tpu.memory_space<vmem>>
        %dma_wait3A_496 = tpu.memref_squeeze %dma_wait3A_495 : memref<1x50x128xf32, #tpu.memory_space<vmem>> -> memref<50x128xf32, #tpu.memory_space<vmem>>
        %dma_wait3A_497 = arith.constant 0 : i32
        %dma_wait3A_498 = arith.constant 0 : i32
        %dma_wait3A_499 = tpu.memref_slice %arg4[%dma_wait3A_492, %dma_wait3A_497, %dma_wait3A_498] : memref<16384x50x128xf32, #tpu.memory_space<hbm>> -> memref<1x50x128xf32, #tpu.memory_space<hbm>>
        %dma_wait3A_500 = tpu.memref_squeeze %dma_wait3A_499 : memref<1x50x128xf32, #tpu.memory_space<hbm>> -> memref<50x128xf32, #tpu.memory_space<hbm>>
        %dma_wait3A_501 = arith.constant 0 : i32
        %dma_wait3A_502 = arith.constant 0 : i32
        %dma_wait3A_503 = tpu.memref_slice %arg4[%dma_wait3A_492, %dma_wait3A_501, %dma_wait3A_502] : memref<16384x50x128xf32, #tpu.memory_space<hbm>> -> memref<1x50x128xf32, #tpu.memory_space<hbm>>
        %dma_wait3A_504 = tpu.memref_squeeze %dma_wait3A_503 : memref<1x50x128xf32, #tpu.memory_space<hbm>> -> memref<50x128xf32, #tpu.memory_space<hbm>>
        %dma_wait3A_505 = arith.constant 0 : i32
        %dma_wait3A_506 = arith.constant 0 : i32
        %dma_wait3A_507 = tpu.memref_slice %arg6[%dma_wait3A_491, %dma_wait3A_505, %dma_wait3A_506] : memref<8x50x128xf32, #tpu.memory_space<vmem>> -> memref<1x50x128xf32, #tpu.memory_space<vmem>>
        %dma_wait3A_508 = tpu.memref_squeeze %dma_wait3A_507 : memref<1x50x128xf32, #tpu.memory_space<vmem>> -> memref<50x128xf32, #tpu.memory_space<vmem>>
        tpu.wait_dma2 semaphore(%arg16 : memref<!tpu.dma_semaphore, #tpu.memory_space<semaphore_mem>>) src(%dma_wait3A_508 : memref<50x128xf32, #tpu.memory_space<vmem>>) dst(%dma_wait3A_504 : memref<50x128xf32, #tpu.memory_space<hbm>>)
      } else {
      }
      %add3A_392 = arith.constant 4 : i32
      %add3A_393 = arith.addi %add3A_356, %add3A_392 : i32
      %lt3A_394 = arith.constant 512 : i32
      %lt3A_395 = arith.cmpi slt, %add3A_393, %lt3A_394 : i32
      %convert_element_type3A_396 = arith.extui %lt3A_395 : i1 to i32
      %cond3A_397 = arith.constant 0 : i32
      %cond3A_398 = arith.cmpi ne, %convert_element_type3A_396, %cond3A_397 : i32
      scf.if %cond3A_398 {
        %add3A_491 = arith.constant 4 : i32
        %add3A_492 = arith.addi %add3A_356, %add3A_491 : i32
        %dma_start3A_493 = arith.constant 1 : i32
        %dma_start3A_494 = arith.constant 0 : i32
        %dma_start3A_495 = arith.constant 0 : i32
        %dma_start3A_496 = tpu.memref_slice %arg6[%dma_start3A_493, %dma_start3A_494, %dma_start3A_495] : memref<8x50x128xf32, #tpu.memory_space<vmem>> -> memref<1x50x128xf32, #tpu.memory_space<vmem>>
        %dma_start3A_497 = tpu.memref_squeeze %dma_start3A_496 : memref<1x50x128xf32, #tpu.memory_space<vmem>> -> memref<50x128xf32, #tpu.memory_space<vmem>>
        %dma_start3A_498 = arith.constant 0 : i32
        %dma_start3A_499 = tpu.memref_slice %arg5[%add3A_492, %dma_start3A_498] : memref<512x50xi32, #tpu.memory_space<vmem>> -> memref<1x50xi32, #tpu.memory_space<vmem>>
        %dma_start3A_500 = tpu.memref_squeeze %dma_start3A_499 : memref<1x50xi32, #tpu.memory_space<vmem>> -> memref<50xi32, #tpu.memory_space<vmem>>
        %dma_start3A_501 = arith.constant 0 : i32
        %dma_start3A_502 = arith.constant 0 : i32
        %dma_start3A_503 = tpu.memref_slice %arg2[%dma_start3A_501, %dma_start3A_502] : memref<1000000x128xf32, #tpu.memory_space<hbm>> -> memref<1000000x128xf32, #tpu.memory_space<hbm>>
        tpu.enqueue_indirect_dma source(%dma_start3A_503 : memref<1000000x128xf32, #tpu.memory_space<hbm>>) target(%dma_start3A_497 : memref<50x128xf32, #tpu.memory_space<vmem>>) offsets(%dma_start3A_500 : memref<50xi32, #tpu.memory_space<vmem>>) semaphore(%arg8 : memref<!tpu.dma_semaphore, #tpu.memory_space<semaphore_mem>>)
      } else {
      }
      %mul3A_399 = arith.constant 8 : i32
      %mul3A_400 = arith.muli %scan3A_126, %mul3A_399 : i32
      %add3A_401 = arith.constant 6 : i32
      %add3A_402 = arith.addi %mul3A_400, %add3A_401 : i32
      %dma_wait3A_403 = arith.constant 0 : i32
      %dma_wait3A_404 = arith.constant 6 : i32
      %dma_wait3A_405 = arith.constant 0 : i32
      %dma_wait3A_406 = arith.constant 0 : i32
      %dma_wait3A_407 = tpu.memref_slice %arg6[%dma_wait3A_404, %dma_wait3A_405, %dma_wait3A_406] : memref<8x50x128xf32, #tpu.memory_space<vmem>> -> memref<1x50x128xf32, #tpu.memory_space<vmem>>
      %dma_wait3A_408 = tpu.memref_squeeze %dma_wait3A_407 : memref<1x50x128xf32, #tpu.memory_space<vmem>> -> memref<50x128xf32, #tpu.memory_space<vmem>>
      %dma_wait3A_409 = arith.constant 0 : i32
      %dma_wait3A_410 = tpu.memref_slice %arg5[%dma_wait3A_403, %dma_wait3A_409] : memref<512x50xi32, #tpu.memory_space<vmem>> -> memref<1x50xi32, #tpu.memory_space<vmem>>
      %dma_wait3A_411 = tpu.memref_squeeze %dma_wait3A_410 : memref<1x50xi32, #tpu.memory_space<vmem>> -> memref<50xi32, #tpu.memory_space<vmem>>
      %dma_wait3A_412 = arith.constant 0 : i32
      %dma_wait3A_413 = arith.constant 0 : i32
      %dma_wait3A_414 = tpu.memref_slice %arg2[%dma_wait3A_412, %dma_wait3A_413] : memref<1000000x128xf32, #tpu.memory_space<hbm>> -> memref<1000000x128xf32, #tpu.memory_space<hbm>>
      tpu.wait_indirect_dma semaphore(%arg13 : memref<!tpu.dma_semaphore, #tpu.memory_space<semaphore_mem>>) src(%dma_wait3A_414 : memref<1000000x128xf32, #tpu.memory_space<hbm>>) dst(%dma_wait3A_408 : memref<50x128xf32, #tpu.memory_space<vmem>>)
      %add3A_415 = arith.addi %mul3A_2, %add3A_402 : i32
      %dma_start3A_416 = arith.constant 6 : i32
      %dma_start3A_417 = arith.constant 0 : i32
      %dma_start3A_418 = arith.constant 0 : i32
      %dma_start3A_419 = tpu.memref_slice %arg6[%dma_start3A_416, %dma_start3A_417, %dma_start3A_418] : memref<8x50x128xf32, #tpu.memory_space<vmem>> -> memref<1x50x128xf32, #tpu.memory_space<vmem>>
      %dma_start3A_420 = tpu.memref_squeeze %dma_start3A_419 : memref<1x50x128xf32, #tpu.memory_space<vmem>> -> memref<50x128xf32, #tpu.memory_space<vmem>>
      %dma_start3A_421 = arith.constant 0 : i32
      %dma_start3A_422 = arith.constant 0 : i32
      %dma_start3A_423 = tpu.memref_slice %arg4[%add3A_415, %dma_start3A_421, %dma_start3A_422] : memref<16384x50x128xf32, #tpu.memory_space<hbm>> -> memref<1x50x128xf32, #tpu.memory_space<hbm>>
      %dma_start3A_424 = tpu.memref_squeeze %dma_start3A_423 : memref<1x50x128xf32, #tpu.memory_space<hbm>> -> memref<50x128xf32, #tpu.memory_space<hbm>>
      %dma_start3A_425 = arith.constant 0 : i32
      %dma_start3A_426 = arith.constant 0 : i32
      %dma_start3A_427 = tpu.memref_slice %arg4[%add3A_415, %dma_start3A_425, %dma_start3A_426] : memref<16384x50x128xf32, #tpu.memory_space<hbm>> -> memref<1x50x128xf32, #tpu.memory_space<hbm>>
      %dma_start3A_428 = tpu.memref_squeeze %dma_start3A_427 : memref<1x50x128xf32, #tpu.memory_space<hbm>> -> memref<50x128xf32, #tpu.memory_space<hbm>>
      %dma_start3A_429 = arith.constant 0 : i32
      %dma_start3A_430 = arith.constant 0 : i32
      %dma_start3A_431 = tpu.memref_slice %arg6[%dma_start3A_416, %dma_start3A_429, %dma_start3A_430] : memref<8x50x128xf32, #tpu.memory_space<vmem>> -> memref<1x50x128xf32, #tpu.memory_space<vmem>>
      %dma_start3A_432 = tpu.memref_squeeze %dma_start3A_431 : memref<1x50x128xf32, #tpu.memory_space<vmem>> -> memref<50x128xf32, #tpu.memory_space<vmem>>
      tpu.enqueue_dma source(%dma_start3A_432 : memref<50x128xf32, #tpu.memory_space<vmem>>) target(%dma_start3A_428 : memref<50x128xf32, #tpu.memory_space<hbm>>) target_semaphore(%arg21 : memref<!tpu.dma_semaphore, #tpu.memory_space<semaphore_mem>>)
      %ge3A_433 = arith.constant 4 : i32
      %ge3A_434 = arith.cmpi sge, %add3A_402, %ge3A_433 : i32
      %convert_element_type3A_435 = arith.extui %ge3A_434 : i1 to i32
      %cond3A_436 = arith.constant 0 : i32
      %cond3A_437 = arith.cmpi ne, %convert_element_type3A_435, %cond3A_436 : i32
      scf.if %cond3A_437 {
        %dma_wait3A_491 = arith.constant 2 : i32
        %dma_wait3A_492 = arith.constant 0 : i32
        %dma_wait3A_493 = arith.constant 0 : i32
        %dma_wait3A_494 = arith.constant 0 : i32
        %dma_wait3A_495 = tpu.memref_slice %arg6[%dma_wait3A_491, %dma_wait3A_493, %dma_wait3A_494] : memref<8x50x128xf32, #tpu.memory_space<vmem>> -> memref<1x50x128xf32, #tpu.memory_space<vmem>>
        %dma_wait3A_496 = tpu.memref_squeeze %dma_wait3A_495 : memref<1x50x128xf32, #tpu.memory_space<vmem>> -> memref<50x128xf32, #tpu.memory_space<vmem>>
        %dma_wait3A_497 = arith.constant 0 : i32
        %dma_wait3A_498 = arith.constant 0 : i32
        %dma_wait3A_499 = tpu.memref_slice %arg4[%dma_wait3A_492, %dma_wait3A_497, %dma_wait3A_498] : memref<16384x50x128xf32, #tpu.memory_space<hbm>> -> memref<1x50x128xf32, #tpu.memory_space<hbm>>
        %dma_wait3A_500 = tpu.memref_squeeze %dma_wait3A_499 : memref<1x50x128xf32, #tpu.memory_space<hbm>> -> memref<50x128xf32, #tpu.memory_space<hbm>>
        %dma_wait3A_501 = arith.constant 0 : i32
        %dma_wait3A_502 = arith.constant 0 : i32
        %dma_wait3A_503 = tpu.memref_slice %arg4[%dma_wait3A_492, %dma_wait3A_501, %dma_wait3A_502] : memref<16384x50x128xf32, #tpu.memory_space<hbm>> -> memref<1x50x128xf32, #tpu.memory_space<hbm>>
        %dma_wait3A_504 = tpu.memref_squeeze %dma_wait3A_503 : memref<1x50x128xf32, #tpu.memory_space<hbm>> -> memref<50x128xf32, #tpu.memory_space<hbm>>
        %dma_wait3A_505 = arith.constant 0 : i32
        %dma_wait3A_506 = arith.constant 0 : i32
        %dma_wait3A_507 = tpu.memref_slice %arg6[%dma_wait3A_491, %dma_wait3A_505, %dma_wait3A_506] : memref<8x50x128xf32, #tpu.memory_space<vmem>> -> memref<1x50x128xf32, #tpu.memory_space<vmem>>
        %dma_wait3A_508 = tpu.memref_squeeze %dma_wait3A_507 : memref<1x50x128xf32, #tpu.memory_space<vmem>> -> memref<50x128xf32, #tpu.memory_space<vmem>>
        tpu.wait_dma2 semaphore(%arg17 : memref<!tpu.dma_semaphore, #tpu.memory_space<semaphore_mem>>) src(%dma_wait3A_508 : memref<50x128xf32, #tpu.memory_space<vmem>>) dst(%dma_wait3A_504 : memref<50x128xf32, #tpu.memory_space<hbm>>)
      } else {
      }
      %add3A_438 = arith.constant 4 : i32
      %add3A_439 = arith.addi %add3A_402, %add3A_438 : i32
      %lt3A_440 = arith.constant 512 : i32
      %lt3A_441 = arith.cmpi slt, %add3A_439, %lt3A_440 : i32
      %convert_element_type3A_442 = arith.extui %lt3A_441 : i1 to i32
      %cond3A_443 = arith.constant 0 : i32
      %cond3A_444 = arith.cmpi ne, %convert_element_type3A_442, %cond3A_443 : i32
      scf.if %cond3A_444 {
        %add3A_491 = arith.constant 4 : i32
        %add3A_492 = arith.addi %add3A_402, %add3A_491 : i32
        %dma_start3A_493 = arith.constant 2 : i32
        %dma_start3A_494 = arith.constant 0 : i32
        %dma_start3A_495 = arith.constant 0 : i32
        %dma_start3A_496 = tpu.memref_slice %arg6[%dma_start3A_493, %dma_start3A_494, %dma_start3A_495] : memref<8x50x128xf32, #tpu.memory_space<vmem>> -> memref<1x50x128xf32, #tpu.memory_space<vmem>>
        %dma_start3A_497 = tpu.memref_squeeze %dma_start3A_496 : memref<1x50x128xf32, #tpu.memory_space<vmem>> -> memref<50x128xf32, #tpu.memory_space<vmem>>
        %dma_start3A_498 = arith.constant 0 : i32
        %dma_start3A_499 = tpu.memref_slice %arg5[%add3A_492, %dma_start3A_498] : memref<512x50xi32, #tpu.memory_space<vmem>> -> memref<1x50xi32, #tpu.memory_space<vmem>>
        %dma_start3A_500 = tpu.memref_squeeze %dma_start3A_499 : memref<1x50xi32, #tpu.memory_space<vmem>> -> memref<50xi32, #tpu.memory_space<vmem>>
        %dma_start3A_501 = arith.constant 0 : i32
        %dma_start3A_502 = arith.constant 0 : i32
        %dma_start3A_503 = tpu.memref_slice %arg2[%dma_start3A_501, %dma_start3A_502] : memref<1000000x128xf32, #tpu.memory_space<hbm>> -> memref<1000000x128xf32, #tpu.memory_space<hbm>>
        tpu.enqueue_indirect_dma source(%dma_start3A_503 : memref<1000000x128xf32, #tpu.memory_space<hbm>>) target(%dma_start3A_497 : memref<50x128xf32, #tpu.memory_space<vmem>>) offsets(%dma_start3A_500 : memref<50xi32, #tpu.memory_space<vmem>>) semaphore(%arg9 : memref<!tpu.dma_semaphore, #tpu.memory_space<semaphore_mem>>)
      } else {
      }
      %mul3A_445 = arith.constant 8 : i32
      %mul3A_446 = arith.muli %scan3A_126, %mul3A_445 : i32
      %add3A_447 = arith.constant 7 : i32
      %add3A_448 = arith.addi %mul3A_446, %add3A_447 : i32
      %dma_wait3A_449 = arith.constant 0 : i32
      %dma_wait3A_450 = arith.constant 7 : i32
      %dma_wait3A_451 = arith.constant 0 : i32
      %dma_wait3A_452 = arith.constant 0 : i32
      %dma_wait3A_453 = tpu.memref_slice %arg6[%dma_wait3A_450, %dma_wait3A_451, %dma_wait3A_452] : memref<8x50x128xf32, #tpu.memory_space<vmem>> -> memref<1x50x128xf32, #tpu.memory_space<vmem>>
      %dma_wait3A_454 = tpu.memref_squeeze %dma_wait3A_453 : memref<1x50x128xf32, #tpu.memory_space<vmem>> -> memref<50x128xf32, #tpu.memory_space<vmem>>
      %dma_wait3A_455 = arith.constant 0 : i32
      %dma_wait3A_456 = tpu.memref_slice %arg5[%dma_wait3A_449, %dma_wait3A_455] : memref<512x50xi32, #tpu.memory_space<vmem>> -> memref<1x50xi32, #tpu.memory_space<vmem>>
      %dma_wait3A_457 = tpu.memref_squeeze %dma_wait3A_456 : memref<1x50xi32, #tpu.memory_space<vmem>> -> memref<50xi32, #tpu.memory_space<vmem>>
      %dma_wait3A_458 = arith.constant 0 : i32
      %dma_wait3A_459 = arith.constant 0 : i32
      %dma_wait3A_460 = tpu.memref_slice %arg2[%dma_wait3A_458, %dma_wait3A_459] : memref<1000000x128xf32, #tpu.memory_space<hbm>> -> memref<1000000x128xf32, #tpu.memory_space<hbm>>
      tpu.wait_indirect_dma semaphore(%arg14 : memref<!tpu.dma_semaphore, #tpu.memory_space<semaphore_mem>>) src(%dma_wait3A_460 : memref<1000000x128xf32, #tpu.memory_space<hbm>>) dst(%dma_wait3A_454 : memref<50x128xf32, #tpu.memory_space<vmem>>)
      %add3A_461 = arith.addi %mul3A_2, %add3A_448 : i32
      %dma_start3A_462 = arith.constant 7 : i32
      %dma_start3A_463 = arith.constant 0 : i32
      %dma_start3A_464 = arith.constant 0 : i32
      %dma_start3A_465 = tpu.memref_slice %arg6[%dma_start3A_462, %dma_start3A_463, %dma_start3A_464] : memref<8x50x128xf32, #tpu.memory_space<vmem>> -> memref<1x50x128xf32, #tpu.memory_space<vmem>>
      %dma_start3A_466 = tpu.memref_squeeze %dma_start3A_465 : memref<1x50x128xf32, #tpu.memory_space<vmem>> -> memref<50x128xf32, #tpu.memory_space<vmem>>
      %dma_start3A_467 = arith.constant 0 : i32
      %dma_start3A_468 = arith.constant 0 : i32
      %dma_start3A_469 = tpu.memref_slice %arg4[%add3A_461, %dma_start3A_467, %dma_start3A_468] : memref<16384x50x128xf32, #tpu.memory_space<hbm>> -> memref<1x50x128xf32, #tpu.memory_space<hbm>>
      %dma_start3A_470 = tpu.memref_squeeze %dma_start3A_469 : memref<1x50x128xf32, #tpu.memory_space<hbm>> -> memref<50x128xf32, #tpu.memory_space<hbm>>
      %dma_start3A_471 = arith.constant 0 : i32
      %dma_start3A_472 = arith.constant 0 : i32
      %dma_start3A_473 = tpu.memref_slice %arg4[%add3A_461, %dma_start3A_471, %dma_start3A_472] : memref<16384x50x128xf32, #tpu.memory_space<hbm>> -> memref<1x50x128xf32, #tpu.memory_space<hbm>>
      %dma_start3A_474 = tpu.memref_squeeze %dma_start3A_473 : memref<1x50x128xf32, #tpu.memory_space<hbm>> -> memref<50x128xf32, #tpu.memory_space<hbm>>
      %dma_start3A_475 = arith.constant 0 : i32
      %dma_start3A_476 = arith.constant 0 : i32
      %dma_start3A_477 = tpu.memref_slice %arg6[%dma_start3A_462, %dma_start3A_475, %dma_start3A_476] : memref<8x50x128xf32, #tpu.memory_space<vmem>> -> memref<1x50x128xf32, #tpu.memory_space<vmem>>
      %dma_start3A_478 = tpu.memref_squeeze %dma_start3A_477 : memref<1x50x128xf32, #tpu.memory_space<vmem>> -> memref<50x128xf32, #tpu.memory_space<vmem>>
      tpu.enqueue_dma source(%dma_start3A_478 : memref<50x128xf32, #tpu.memory_space<vmem>>) target(%dma_start3A_474 : memref<50x128xf32, #tpu.memory_space<hbm>>) target_semaphore(%arg22 : memref<!tpu.dma_semaphore, #tpu.memory_space<semaphore_mem>>)
      %ge3A_479 = arith.constant 4 : i32
      %ge3A_480 = arith.cmpi sge, %add3A_448, %ge3A_479 : i32
      %convert_element_type3A_481 = arith.extui %ge3A_480 : i1 to i32
      %cond3A_482 = arith.constant 0 : i32
      %cond3A_483 = arith.cmpi ne, %convert_element_type3A_481, %cond3A_482 : i32
      scf.if %cond3A_483 {
        %dma_wait3A_491 = arith.constant 3 : i32
        %dma_wait3A_492 = arith.constant 0 : i32
        %dma_wait3A_493 = arith.constant 0 : i32
        %dma_wait3A_494 = arith.constant 0 : i32
        %dma_wait3A_495 = tpu.memref_slice %arg6[%dma_wait3A_491, %dma_wait3A_493, %dma_wait3A_494] : memref<8x50x128xf32, #tpu.memory_space<vmem>> -> memref<1x50x128xf32, #tpu.memory_space<vmem>>
        %dma_wait3A_496 = tpu.memref_squeeze %dma_wait3A_495 : memref<1x50x128xf32, #tpu.memory_space<vmem>> -> memref<50x128xf32, #tpu.memory_space<vmem>>
        %dma_wait3A_497 = arith.constant 0 : i32
        %dma_wait3A_498 = arith.constant 0 : i32
        %dma_wait3A_499 = tpu.memref_slice %arg4[%dma_wait3A_492, %dma_wait3A_497, %dma_wait3A_498] : memref<16384x50x128xf32, #tpu.memory_space<hbm>> -> memref<1x50x128xf32, #tpu.memory_space<hbm>>
        %dma_wait3A_500 = tpu.memref_squeeze %dma_wait3A_499 : memref<1x50x128xf32, #tpu.memory_space<hbm>> -> memref<50x128xf32, #tpu.memory_space<hbm>>
        %dma_wait3A_501 = arith.constant 0 : i32
        %dma_wait3A_502 = arith.constant 0 : i32
        %dma_wait3A_503 = tpu.memref_slice %arg4[%dma_wait3A_492, %dma_wait3A_501, %dma_wait3A_502] : memref<16384x50x128xf32, #tpu.memory_space<hbm>> -> memref<1x50x128xf32, #tpu.memory_space<hbm>>
        %dma_wait3A_504 = tpu.memref_squeeze %dma_wait3A_503 : memref<1x50x128xf32, #tpu.memory_space<hbm>> -> memref<50x128xf32, #tpu.memory_space<hbm>>
        %dma_wait3A_505 = arith.constant 0 : i32
        %dma_wait3A_506 = arith.constant 0 : i32
        %dma_wait3A_507 = tpu.memref_slice %arg6[%dma_wait3A_491, %dma_wait3A_505, %dma_wait3A_506] : memref<8x50x128xf32, #tpu.memory_space<vmem>> -> memref<1x50x128xf32, #tpu.memory_space<vmem>>
        %dma_wait3A_508 = tpu.memref_squeeze %dma_wait3A_507 : memref<1x50x128xf32, #tpu.memory_space<vmem>> -> memref<50x128xf32, #tpu.memory_space<vmem>>
        tpu.wait_dma2 semaphore(%arg18 : memref<!tpu.dma_semaphore, #tpu.memory_space<semaphore_mem>>) src(%dma_wait3A_508 : memref<50x128xf32, #tpu.memory_space<vmem>>) dst(%dma_wait3A_504 : memref<50x128xf32, #tpu.memory_space<hbm>>)
      } else {
      }
      %add3A_484 = arith.constant 4 : i32
      %add3A_485 = arith.addi %add3A_448, %add3A_484 : i32
      %lt3A_486 = arith.constant 512 : i32
      %lt3A_487 = arith.cmpi slt, %add3A_485, %lt3A_486 : i32
      %convert_element_type3A_488 = arith.extui %lt3A_487 : i1 to i32
      %cond3A_489 = arith.constant 0 : i32
      %cond3A_490 = arith.cmpi ne, %convert_element_type3A_488, %cond3A_489 : i32
      scf.if %cond3A_490 {
        %add3A_491 = arith.constant 4 : i32
        %add3A_492 = arith.addi %add3A_448, %add3A_491 : i32
        %dma_start3A_493 = arith.constant 3 : i32
        %dma_start3A_494 = arith.constant 0 : i32
        %dma_start3A_495 = arith.constant 0 : i32
        %dma_start3A_496 = tpu.memref_slice %arg6[%dma_start3A_493, %dma_start3A_494, %dma_start3A_495] : memref<8x50x128xf32, #tpu.memory_space<vmem>> -> memref<1x50x128xf32, #tpu.memory_space<vmem>>
        %dma_start3A_497 = tpu.memref_squeeze %dma_start3A_496 : memref<1x50x128xf32, #tpu.memory_space<vmem>> -> memref<50x128xf32, #tpu.memory_space<vmem>>
        %dma_start3A_498 = arith.constant 0 : i32
        %dma_start3A_499 = tpu.memref_slice %arg5[%add3A_492, %dma_start3A_498] : memref<512x50xi32, #tpu.memory_space<vmem>> -> memref<1x50xi32, #tpu.memory_space<vmem>>
        %dma_start3A_500 = tpu.memref_squeeze %dma_start3A_499 : memref<1x50xi32, #tpu.memory_space<vmem>> -> memref<50xi32, #tpu.memory_space<vmem>>
        %dma_start3A_501 = arith.constant 0 : i32
        %dma_start3A_502 = arith.constant 0 : i32
        %dma_start3A_503 = tpu.memref_slice %arg2[%dma_start3A_501, %dma_start3A_502] : memref<1000000x128xf32, #tpu.memory_space<hbm>> -> memref<1000000x128xf32, #tpu.memory_space<hbm>>
        tpu.enqueue_indirect_dma source(%dma_start3A_503 : memref<1000000x128xf32, #tpu.memory_space<hbm>>) target(%dma_start3A_497 : memref<50x128xf32, #tpu.memory_space<vmem>>) offsets(%dma_start3A_500 : memref<50xi32, #tpu.memory_space<vmem>>) semaphore(%arg10 : memref<!tpu.dma_semaphore, #tpu.memory_space<semaphore_mem>>)
      } else {
      }
    }
    %scan3A_54 = arith.constant 64 : i32
    %dma_wait3A = arith.constant 4 : i32
    %dma_wait3A_55 = arith.constant 0 : i32
    %dma_wait3A_56 = arith.constant 0 : i32
    %dma_wait3A_57 = arith.constant 0 : i32
    %dma_wait3A_58 = tpu.memref_slice %arg6[%dma_wait3A, %dma_wait3A_56, %dma_wait3A_57] : memref<8x50x128xf32, #tpu.memory_space<vmem>> -> memref<1x50x128xf32, #tpu.memory_space<vmem>>
    %dma_wait3A_59 = tpu.memref_squeeze %dma_wait3A_58 : memref<1x50x128xf32, #tpu.memory_space<vmem>> -> memref<50x128xf32, #tpu.memory_space<vmem>>
    %dma_wait3A_60 = arith.constant 0 : i32
    %dma_wait3A_61 = arith.constant 0 : i32
    %dma_wait3A_62 = tpu.memref_slice %arg4[%dma_wait3A_55, %dma_wait3A_60, %dma_wait3A_61] : memref<16384x50x128xf32, #tpu.memory_space<hbm>> -> memref<1x50x128xf32, #tpu.memory_space<hbm>>
    %dma_wait3A_63 = tpu.memref_squeeze %dma_wait3A_62 : memref<1x50x128xf32, #tpu.memory_space<hbm>> -> memref<50x128xf32, #tpu.memory_space<hbm>>
    %dma_wait3A_64 = arith.constant 0 : i32
    %dma_wait3A_65 = arith.constant 0 : i32
    %dma_wait3A_66 = tpu.memref_slice %arg4[%dma_wait3A_55, %dma_wait3A_64, %dma_wait3A_65] : memref<16384x50x128xf32, #tpu.memory_space<hbm>> -> memref<1x50x128xf32, #tpu.memory_space<hbm>>
    %dma_wait3A_67 = tpu.memref_squeeze %dma_wait3A_66 : memref<1x50x128xf32, #tpu.memory_space<hbm>> -> memref<50x128xf32, #tpu.memory_space<hbm>>
    %dma_wait3A_68 = arith.constant 0 : i32
    %dma_wait3A_69 = arith.constant 0 : i32
    %dma_wait3A_70 = tpu.memref_slice %arg6[%dma_wait3A, %dma_wait3A_68, %dma_wait3A_69] : memref<8x50x128xf32, #tpu.memory_space<vmem>> -> memref<1x50x128xf32, #tpu.memory_space<vmem>>
    %dma_wait3A_71 = tpu.memref_squeeze %dma_wait3A_70 : memref<1x50x128xf32, #tpu.memory_space<vmem>> -> memref<50x128xf32, #tpu.memory_space<vmem>>
    tpu.wait_dma2 semaphore(%arg19 : memref<!tpu.dma_semaphore, #tpu.memory_space<semaphore_mem>>) src(%dma_wait3A_71 : memref<50x128xf32, #tpu.memory_space<vmem>>) dst(%dma_wait3A_67 : memref<50x128xf32, #tpu.memory_space<hbm>>)
    %dma_wait3A_72 = arith.constant 5 : i32
    %dma_wait3A_73 = arith.constant 0 : i32
    %dma_wait3A_74 = arith.constant 0 : i32
    %dma_wait3A_75 = arith.constant 0 : i32
    %dma_wait3A_76 = tpu.memref_slice %arg6[%dma_wait3A_72, %dma_wait3A_74, %dma_wait3A_75] : memref<8x50x128xf32, #tpu.memory_space<vmem>> -> memref<1x50x128xf32, #tpu.memory_space<vmem>>
    %dma_wait3A_77 = tpu.memref_squeeze %dma_wait3A_76 : memref<1x50x128xf32, #tpu.memory_space<vmem>> -> memref<50x128xf32, #tpu.memory_space<vmem>>
    %dma_wait3A_78 = arith.constant 0 : i32
    %dma_wait3A_79 = arith.constant 0 : i32
    %dma_wait3A_80 = tpu.memref_slice %arg4[%dma_wait3A_73, %dma_wait3A_78, %dma_wait3A_79] : memref<16384x50x128xf32, #tpu.memory_space<hbm>> -> memref<1x50x128xf32, #tpu.memory_space<hbm>>
    %dma_wait3A_81 = tpu.memref_squeeze %dma_wait3A_80 : memref<1x50x128xf32, #tpu.memory_space<hbm>> -> memref<50x128xf32, #tpu.memory_space<hbm>>
    %dma_wait3A_82 = arith.constant 0 : i32
    %dma_wait3A_83 = arith.constant 0 : i32
    %dma_wait3A_84 = tpu.memref_slice %arg4[%dma_wait3A_73, %dma_wait3A_82, %dma_wait3A_83] : memref<16384x50x128xf32, #tpu.memory_space<hbm>> -> memref<1x50x128xf32, #tpu.memory_space<hbm>>
    %dma_wait3A_85 = tpu.memref_squeeze %dma_wait3A_84 : memref<1x50x128xf32, #tpu.memory_space<hbm>> -> memref<50x128xf32, #tpu.memory_space<hbm>>
    %dma_wait3A_86 = arith.constant 0 : i32
    %dma_wait3A_87 = arith.constant 0 : i32
    %dma_wait3A_88 = tpu.memref_slice %arg6[%dma_wait3A_72, %dma_wait3A_86, %dma_wait3A_87] : memref<8x50x128xf32, #tpu.memory_space<vmem>> -> memref<1x50x128xf32, #tpu.memory_space<vmem>>
    %dma_wait3A_89 = tpu.memref_squeeze %dma_wait3A_88 : memref<1x50x128xf32, #tpu.memory_space<vmem>> -> memref<50x128xf32, #tpu.memory_space<vmem>>
    tpu.wait_dma2 semaphore(%arg20 : memref<!tpu.dma_semaphore, #tpu.memory_space<semaphore_mem>>) src(%dma_wait3A_89 : memref<50x128xf32, #tpu.memory_space<vmem>>) dst(%dma_wait3A_85 : memref<50x128xf32, #tpu.memory_space<hbm>>)
    %dma_wait3A_90 = arith.constant 6 : i32
    %dma_wait3A_91 = arith.constant 0 : i32
    %dma_wait3A_92 = arith.constant 0 : i32
    %dma_wait3A_93 = arith.constant 0 : i32
    %dma_wait3A_94 = tpu.memref_slice %arg6[%dma_wait3A_90, %dma_wait3A_92, %dma_wait3A_93] : memref<8x50x128xf32, #tpu.memory_space<vmem>> -> memref<1x50x128xf32, #tpu.memory_space<vmem>>
    %dma_wait3A_95 = tpu.memref_squeeze %dma_wait3A_94 : memref<1x50x128xf32, #tpu.memory_space<vmem>> -> memref<50x128xf32, #tpu.memory_space<vmem>>
    %dma_wait3A_96 = arith.constant 0 : i32
    %dma_wait3A_97 = arith.constant 0 : i32
    %dma_wait3A_98 = tpu.memref_slice %arg4[%dma_wait3A_91, %dma_wait3A_96, %dma_wait3A_97] : memref<16384x50x128xf32, #tpu.memory_space<hbm>> -> memref<1x50x128xf32, #tpu.memory_space<hbm>>
    %dma_wait3A_99 = tpu.memref_squeeze %dma_wait3A_98 : memref<1x50x128xf32, #tpu.memory_space<hbm>> -> memref<50x128xf32, #tpu.memory_space<hbm>>
    %dma_wait3A_100 = arith.constant 0 : i32
    %dma_wait3A_101 = arith.constant 0 : i32
    %dma_wait3A_102 = tpu.memref_slice %arg4[%dma_wait3A_91, %dma_wait3A_100, %dma_wait3A_101] : memref<16384x50x128xf32, #tpu.memory_space<hbm>> -> memref<1x50x128xf32, #tpu.memory_space<hbm>>
    %dma_wait3A_103 = tpu.memref_squeeze %dma_wait3A_102 : memref<1x50x128xf32, #tpu.memory_space<hbm>> -> memref<50x128xf32, #tpu.memory_space<hbm>>
    %dma_wait3A_104 = arith.constant 0 : i32
    %dma_wait3A_105 = arith.constant 0 : i32
    %dma_wait3A_106 = tpu.memref_slice %arg6[%dma_wait3A_90, %dma_wait3A_104, %dma_wait3A_105] : memref<8x50x128xf32, #tpu.memory_space<vmem>> -> memref<1x50x128xf32, #tpu.memory_space<vmem>>
    %dma_wait3A_107 = tpu.memref_squeeze %dma_wait3A_106 : memref<1x50x128xf32, #tpu.memory_space<vmem>> -> memref<50x128xf32, #tpu.memory_space<vmem>>
    tpu.wait_dma2 semaphore(%arg21 : memref<!tpu.dma_semaphore, #tpu.memory_space<semaphore_mem>>) src(%dma_wait3A_107 : memref<50x128xf32, #tpu.memory_space<vmem>>) dst(%dma_wait3A_103 : memref<50x128xf32, #tpu.memory_space<hbm>>)
    %dma_wait3A_108 = arith.constant 7 : i32
    %dma_wait3A_109 = arith.constant 0 : i32
    %dma_wait3A_110 = arith.constant 0 : i32
    %dma_wait3A_111 = arith.constant 0 : i32
    %dma_wait3A_112 = tpu.memref_slice %arg6[%dma_wait3A_108, %dma_wait3A_110, %dma_wait3A_111] : memref<8x50x128xf32, #tpu.memory_space<vmem>> -> memref<1x50x128xf32, #tpu.memory_space<vmem>>
    %dma_wait3A_113 = tpu.memref_squeeze %dma_wait3A_112 : memref<1x50x128xf32, #tpu.memory_space<vmem>> -> memref<50x128xf32, #tpu.memory_space<vmem>>
    %dma_wait3A_114 = arith.constant 0 : i32
    %dma_wait3A_115 = arith.constant 0 : i32
    %dma_wait3A_116 = tpu.memref_slice %arg4[%dma_wait3A_109, %dma_wait3A_114, %dma_wait3A_115] : memref<16384x50x128xf32, #tpu.memory_space<hbm>> -> memref<1x50x128xf32, #tpu.memory_space<hbm>>
    %dma_wait3A_117 = tpu.memref_squeeze %dma_wait3A_116 : memref<1x50x128xf32, #tpu.memory_space<hbm>> -> memref<50x128xf32, #tpu.memory_space<hbm>>
    %dma_wait3A_118 = arith.constant 0 : i32
    %dma_wait3A_119 = arith.constant 0 : i32
    %dma_wait3A_120 = tpu.memref_slice %arg4[%dma_wait3A_109, %dma_wait3A_118, %dma_wait3A_119] : memref<16384x50x128xf32, #tpu.memory_space<hbm>> -> memref<1x50x128xf32, #tpu.memory_space<hbm>>
    %dma_wait3A_121 = tpu.memref_squeeze %dma_wait3A_120 : memref<1x50x128xf32, #tpu.memory_space<hbm>> -> memref<50x128xf32, #tpu.memory_space<hbm>>
    %dma_wait3A_122 = arith.constant 0 : i32
    %dma_wait3A_123 = arith.constant 0 : i32
    %dma_wait3A_124 = tpu.memref_slice %arg6[%dma_wait3A_108, %dma_wait3A_122, %dma_wait3A_123] : memref<8x50x128xf32, #tpu.memory_space<vmem>> -> memref<1x50x128xf32, #tpu.memory_space<vmem>>
    %dma_wait3A_125 = tpu.memref_squeeze %dma_wait3A_124 : memref<1x50x128xf32, #tpu.memory_space<vmem>> -> memref<50x128xf32, #tpu.memory_space<vmem>>
    tpu.wait_dma2 semaphore(%arg22 : memref<!tpu.dma_semaphore, #tpu.memory_space<semaphore_mem>>) src(%dma_wait3A_125 : memref<50x128xf32, #tpu.memory_space<vmem>>) dst(%dma_wait3A_121 : memref<50x128xf32, #tpu.memory_space<hbm>>)
    return
  }
}

</mosaic_0001>

<sc_bundles>
// kernel: kernel.3.cloned.1.call-start
scs
__scs_entry_jumppad:
0x0: {  	(pc) =	sbr.rel $0x88, $3  }
0x1: {  	(tag) =	ssettag $0x0;
	lr =	simm.s32 $0x1  }
0x2: {  	[smem:$0x3F9F] =	sst lr;
	_ =	strace $0xD0000000  }
0x3: {  	_ = 	snop  }
0x4: {  	_ = 	snop  }
0x5: {  	_ = 	snop  }
0x6: {  	_ = 	snop  }
0x7: {  	_ = 	snop  }
__scs_overlays_trampoline_lowered:
0x8: {  	[smem:$0x3FAE] =	sst s0  }
0x9: {  	[smem:$0x3FAF] =	sst s1  }
0xa: {  	[smem:$0x3FB0] =	sst s2  }
0xb: {  	[smem:$0x3FB1] =	sst s3  }
0xc: {  	[smem:$0x3FB2] =	sst s4  }
0xd: {  	[smem:$0x3FB3] =	sst s5  }
0xe: {  	[smem:$0x3FB4] =	sst s6  }
0xf: {  	[smem:$0x3FB5] =	sst s7  }
0x10: {  	[smem:$0x3FB6] =	sst s8  }
0x11: {  	[smem:$0x3FB7] =	sst s9;
	s0 =	simm.s32 @!p0 $0x0  }
0x12: {  	s1 =	sld [smem:$0x3F9D];
	s0 =	simm.s32 @p0 $0x1  }
0x13: {  	[smem:$0x3FB8] =	sst s0;
	s0 =	simm.s32 @!p1 $0x0  }
0x14: {  	s2 =	sld [smem:$0x3F9C];
	s0 =	simm.s32 @p1 $0x1  }
0x15: {  	[smem:$0x3FB9] =	sst s0;
	s0 =	simm.s32 @!p2 $0x0  }
0x16: {  	s3 =	sld [smem:$0x3FDB];
	s0 =	simm.s32 @p2 $0x1  }
0x17: {  	s4 =	simm.s32 $0x1BF5;
	[smem:$0x3FBB] =	sst s0  }
0x18: {  	s0 =	sld [smem:$0x3F9E];
	_ =	swait.ge [sflag:s4], $0x0  }
0x19: {  	s7 =	sld [smem:$0x3F9F]  }
0x1a: {  	s8 =	sadd.s32 $0xFFFFE003, lr  }
0x1b: {  	s9 =	sadd.s32 $0xFFFFFEF7, lr;
	s5 =	simm.s32 $0xFFFFFFFF;
	p2 =	slt.u32 s8, $0xFFFFF086  }
0x1c: {  	p1 =	slt.u32 s9, $0xF7A;
	s5 =	simm.s32 @!p2 $0x0  }
0x1d: {  	s5 =	simm.s32 @p1 $0x1;
	p0 =	seq.s32 s7, s2  }
0x1e: {  	s7 =	smul.u32 @!p0 $0xF7A, s2;
	p2 =	seq.s32 @!p0 s5, $0x0  }
0x1f: {  	s9 =	smul.u32 $0xF7A, s1;
	s8 =	simm.s32 @!p0 $0x1BF5;
	p2 =	por !p2, p0  }
0x20: {  	[sflag:s8] =	ssyncset.s32 @!p0 $0xFFFFF086;
	s6 =	sadd.s32 @!p0 s3, s7;
	s7 =	simm.s32 @!p0 $0x108  }
0x21: {  	s3 =	sadd.s32 s3, s9;
	s6 =	sadd.s32 @!p0 $0x88, s6;
	s7 =	simm.s32 @p2 $0x1082  }
0x22: {  	[simem:s7], [sflag:s8] =	dma.local @!p0 [hbm:s6], $0xF7A  }
0x23: {  	s9 =	sor.u32 $0xD0000000, s2;
	s6 =	simm.s32 $0x108;
	_ =	swait.ge @!p0 [sflag:s8], $0x0  }
0x24: {  	s3 =	sadd.s32 $0x88, s3;
	s6 =	simm.s32 @!p1 $0x1082;
	[sflag:s4] =	ssyncset.s32 $0xFFFFF086  }
0x25: {  	[simem:s6], [sflag:s4] =	dma.local [hbm:s3], $0xF7A  }
0x26: {  	[smem:$0x3F9F] =	sst s1;
	(tag) =	ssettag s2;
	_ =	strace s9  }
0x27: {  	s1 =	sld [smem:$0x3FAF]  }
0x28: {  	s2 =	sld [smem:$0x3FB0]  }
0x29: {  	s4 =	sld [smem:$0x3FB2]  }
0x2a: {  	p0 =	seq.s32 s5, $0x0;
	s5 =	sld [smem:$0x3FB3]  }
0x2b: {  	s6 =	sld [smem:$0x3FB4]  }
0x2c: {  	s7 =	sld [smem:$0x3FB5]  }
0x2d: {  	s3 =	simm.s32 $0x108;
	s8 =	sld [smem:$0x3FB6]  }
0x2e: {  	s3 =	simm.s32 @!p0 $0x1082;
	s9 =	sld [smem:$0x3FB7]  }
0x2f: {  	lr =	sadd.s32 s0, s3;
	s0 =	sld [smem:$0x3FAE]  }
0x30: {  	s3 =	sld [smem:$0x3FB1]  }
0x31: {  	[smem:$0x3FBA] =	sst s10  }
0x32: {  	s10 =	sld [smem:$0x3FB8];
	_ =	sdelay $0x3  }
0x33: {  	p0 =	seq.s32 s10, $0x1;
	s10 =	sld [smem:$0x3FBA];
	_ =	sdelay $0x3  }
0x34: {  	[smem:$0x3FBA] =	sst s10  }
0x35: {  	s10 =	sld [smem:$0x3FB9];
	_ =	sdelay $0x3  }
0x36: {  	p1 =	seq.s32 s10, $0x1;
	s10 =	sld [smem:$0x3FBA];
	_ =	sdelay $0x3  }
0x37: {  	[smem:$0x3FBA] =	sst s10  }
0x38: {  	s10 =	sld [smem:$0x3FBB]  }
0x39: {  	_ = 	snop;
	(pc) =	sbr.ind lr, $3  }
0x3a: {  	_ = 	snop  }
0x3b: {  	_ = 	snop  }
0x3c: {  	p2 =	seq.s32 s10, $0x1;
	s10 =	sld [smem:$0x3FBA]  }
0x3d: {  	_ =	shalt  }
0x3e: {  	_ =	shalt  }
0x3f: {  	_ =	shalt  }
0x40: {  	_ =	shalt  }
0x41: {  	_ =	shalt  }
0x42: {  	_ =	shalt  }
0x43: {  	_ =	shalt  }
0x44: {  	_ =	shalt  }
0x45: {  	_ =	shalt  }
0x46: {  	_ =	shalt  }
0x47: {  	_ =	shalt  }
0x48: {  	_ =	shalt  }
0x49: {  	_ =	shalt  }
0x4a: {  	_ =	shalt  }
0x4b: {  	_ =	shalt  }
0x4c: {  	_ =	shalt  }
0x4d: {  	_ =	shalt  }
0x4e: {  	_ =	shalt  }
0x4f: {  	_ =	shalt  }
0x50: {  	_ =	shalt  }
0x51: {  	_ =	shalt  }
0x52: {  	_ =	shalt  }
0x53: {  	_ =	shalt  }
0x54: {  	_ =	shalt  }
0x55: {  	_ =	shalt  }
0x56: {  	_ =	shalt  }
0x57: {  	_ =	shalt  }
0x58: {  	_ =	shalt  }
0x59: {  	_ =	shalt  }
0x5a: {  	_ =	shalt  }
0x5b: {  	_ =	shalt  }
0x5c: {  	_ =	shalt  }
0x5d: {  	_ =	shalt  }
0x5e: {  	_ =	shalt  }
0x5f: {  	_ =	shalt  }
0x60: {  	_ =	shalt  }
0x61: {  	_ =	shalt  }
0x62: {  	_ =	shalt  }
0x63: {  	_ =	shalt  }
0x64: {  	_ =	shalt  }
0x65: {  	_ =	shalt  }
0x66: {  	_ =	shalt  }
0x67: {  	_ =	shalt  }
0x68: {  	_ =	shalt  }
0x69: {  	_ =	shalt  }
0x6a: {  	_ =	shalt  }
0x6b: {  	_ =	shalt  }
0x6c: {  	_ =	shalt  }
0x6d: {  	_ =	shalt  }
0x6e: {  	_ =	shalt  }
0x6f: {  	_ =	shalt  }
0x70: {  	_ =	shalt  }
0x71: {  	_ =	shalt  }
0x72: {  	_ =	shalt  }
0x73: {  	_ =	shalt  }
0x74: {  	_ =	shalt  }
0x75: {  	_ =	shalt  }
0x76: {  	_ =	shalt  }
0x77: {  	_ =	shalt  }
0x78: {  	_ =	shalt  }
0x79: {  	_ =	shalt  }
0x7a: {  	_ =	shalt  }
0x7b: {  	_ =	shalt  }
0x7c: {  	_ =	shalt  }
0x7d: {  	_ =	shalt  }
0x7e: {  	_ =	shalt  }
0x7f: {  	_ =	shalt  }
0x80: {  	_ =	shalt  }
0x81: {  	_ =	shalt  }
0x82: {  	_ =	shalt  }
0x83: {  	_ =	shalt  }
0x84: {  	_ =	shalt  }
0x85: {  	_ =	shalt  }
0x86: {  	_ =	shalt  }
0x87: {  	_ =	shalt  }
.Lfunc_end0:
.L_simem_size_0:
called_computation.1_lowered:
.L_overlay_start_0:
0x88: {  	s2 =	sld [smem:$0x3FD9]  }
0x89: {  	s3 =	sld [smem:$0x3FFE];
	_ =	sdelay $0x1  }
0x8a: {  	s1 =	srdreg.scid  }
0x8b: {  	s0 =	sand.u32 $0x1, s1  }
0x8c: {  	s17 =	sshll.u32 s0, $0xA;
	s2 =	sadd.s32 s3, s2  }
0x8d: {  	s2 =	sadd.s32 s2, s17  }
0x8e: {  	[smem:$0x3FC6] =	sst s2  }
0x8f: {  	_ = 	snop  }
0x90: {  	s2 =	sld [smem:$0x3FD0];
	(tm) =	ssettm $0x1  }
0x91: {  	s18 =	sld [smem:$0x3FFB];
	_ =	sdelay $0x3  }
0x92: {  	_ =	strace s18  }
0x93: {  	s3 =	sld [smem:$0x3FFC];
	_ =	sdelay $0x3  }
0x94: {  	_ =	strace s3  }
0x95: {  	s3 =	sld [smem:$0x3FFD];
	_ =	sdelay $0x3  }
0x96: {  	_ =	strace s3  }
0x97: {  	_ =	strace $0x8FFFFFFF  }
0x98: {  	s19 =	sld [smem:$0x3FDB];
	_ =	sdelay $0x1  }
0x99: {  	s4 =	simm.s32 $_scs_section_size  }
0x9a: {  	s5 =	simm.s32 $_size__tile_overlayer_lowered;
	s6 =	simm.s32 $_tile_overlayer_lowered  }
0x9b: {  	s22 =	simm.s32 $0x1BFF;
	s21 =	sshll.u32 s6, $0x1;
	s3 =	sadd.s32 s4, s19  }
0x9c: {  	s7 =	simm.s32 $0x0;
	s20 =	sshll.u32 s5, $0x1;
	s5 =	sadd.s32 s21, s3  }
0x9d: {  	[timem:s7], [sflag:s22] =	dma.local [hbm:s5], s20  }
0x9e: {  	_ =	swait.ge [sflag:s22], s20  }
0x9f: {  	s4 =	ssub.s32 $0x0, s20;
	[sflag:s22] =	ssyncset.done $0x0  }
0xa0: {  	[sflag:s22] =	ssyncadd.s32 s4;
	_ =	sdelay $0x1  }
0xa1: {  	s23 =	simm.s32 $0x1B8B  }
0xa2: {  	_ =	swait.ge [sflag:s23], $0x1  }
0xa3: {  	[sflag:s23] =	ssyncset.done $0x0  }
0xa4: {  	s25 =	simm.s32 $0x1B8E;
	s24 =	sld [smem:$0x3FFE];
	[sflag:s23] =	ssyncadd.s32 $0xFFFFFFFF  }
0xa5: {  	s26 =	simm.s32 $execute0_lowered;
	[smem:$0x3FD2] =	sst s25  }
0xa6: {  	s5 =	sshll.u32 s26, $0x1;
	_ =	strace $0x80000046;
	[dreg:$0x1] =	wrdreg $0xFFFFFFFF  }
0xa7: {  	s28 =	simm.s32 $_size_execute0_lowered;
	s3 =	sadd.s32 s3, s5;
	[dreg:$0x0] =	wrdreg $0x0  }
0xa8: {  	s5 =	sshll.u32 s28, $0x1;
	[dreg:$0x2] =	wrdreg s3  }
0xa9: {  	[dreg:$0x3] =	wrdreg s5  }
0xaa: {  	[dreg:$0x4] =	wrdreg $0xC0  }
0xab: {  	_ =	task [dreg:s7], $0x5FFFF  }
0xac: {  	[dreg:$0x1] =	wrdreg $0xFFFFFFFF  }
0xad: {  	[dreg:$0x0] =	wrdreg $0x60  }
0xae: {  	[dreg:$0x2] =	wrdreg s24  }
0xaf: {  	[dreg:$0x3] =	wrdreg s2  }
0xb0: {  	[dreg:$0x4] =	wrdreg $0x9  }
0xb1: {  	_ =	task.clear_ibuf [dreg:s7], $0x5FFFF;
	_ =	strace $0x90000046  }
0xb2: {  	s29 =	simm.s32 $0x9;
	_ =	strace $0x80000048  }
0xb3: {  	_ =	swait.ge [sflag:s29], $0x1  }
0xb4: {  	[sflag:s29] =	ssyncadd.s32 $0xFFFFFFFF  }
0xb5: {  	_ =	strace $0x90000048  }
0xb6: {  	_ =	sfence  }
0xb7: {  	s30 =	sld [smem:$0x0];
	_ =	sdelay $0x2  }
0xb8: {  	s31 =	sshll.u32 s1, $0xD;
	s1 =	sshrl.u32 s1, $0x2  }
0xb9: {  	s3 =	sand.u32 $0x4000, s31;
	s1 =	sadd.s32 s1, s30  }
0xba: {  	s0 =	sor.u32 s3, s0;
	s1 =	sshll.u32 s1, $0x11  }
0xbb: {  	s0 =	sor.u32 s1, s0  }
0xbc: {  	s0 =	sadd.s32 $0x8F2B, s0  }
0xbd: {  	[sflag:s0] =	ssyncadd.remote.s32 $0x1  }
0xbe: {  	_ =	sfence.sel $0xFFFF  }
0xbf: {  	[dreg:$0x0] =	wrdreg $0xFFFFFFFF;
	(pc) =	sbr.abs _section_cstart, $3  }
0xc0: {  	[dreg:$0x1] =	wrdreg $0xFFFFFFFF  }
0xc1: {  	_ =	task.clear_ibuf [dreg:s7], $0x2FFFF;
	_ =	strace $0x9FFFFFFF  }
0xc2: {  	(tm) =	ssettm $0x7FFFFFFF  }
0xc3: {  	_ =	shalt  }
tec
execute0_lowered:
.L_overlay_start_1:
0x0: {  	(tag) =	ssettag $0x1  }
0x1: {  	s0 =	rddreg [dreg:$0x0]  }
0x2: {  	s1 =	rddreg [dreg:$0x1];
	s2 =	simm.s32 $0x0  }
0x3: {  	s8 =	stileid.u32;
	s5 =	srdreg.scid;
	s9 =	simm.s32 $0x10000  }
0x4: {  	s11 =	simm.s32 $0x11C00;
	s13 =	simm.s32 $0x13800;
	s15 =	simm.s32 $0x15400  }
0x5: {  	s16 =	simm.s32 $0x1;
	s17 =	simm.s32 $0x17000;
	s18 =	simm.s32 $0x2  }
0x6: {  	s19 =	simm.s32 $0x18C00;
	s20 =	simm.s32 $0x3;
	s21 =	simm.s32 $0x1A800  }
0x7: {  	s22 =	simm.s32 $0x4;
	s23 =	simm.s32 $0x1C400;
	s24 =	simm.s32 $0x5  }
0x8: {  	s28 =	simm.s32 $0xA;
	s29 =	simm.s32 $0x7;
	s30 =	simm.s32 $0xB  }
0x9: {  	s31 =	simm.s32 $0x8;
	[smem:$0x7FF] =	sst s2;
	s4 =	smul.u32 $0xE0000, s8  }
0xa: {  	s3 =	sadd.s32 $0xF42E00, s0;
	s5 =	sand.u32 $0x1, s5;
	s8 =	sshll.u32 s8, $0xE  }
0xb: {  	_ =	strace $0x80000047;
	s25 =	ssub.s32 $0x2, s5;
	s6 =	smul.u32 $0x70000, s5  }
0xc: {  	s5 =	sshll.u32 s5, $0xD;
	s0 =	sadd.s32 s4, s0;
	s7 =	sshrl.u32 s25, $0x1  }
.Ltmp0:
0xd: {  	s5 =	sor.u32 s5, s8;
	s8 =	simm.s32 $0x32;
	(pc) =	sbr.rel .LBB2_1-.Ltmp0, $4  }
0xe: {  	s4 =	ssub.s32 s25, s7;
	s0 =	sadd.s32 s6, s0;
	s1 =	sadd.s32 s1, s5  }
0xf: {  	s25 =	simm.s32 $0x9;
	[dreg:$0x3] =	wrdreg s1;
	s26 =	smax.u32 s4, $0x1  }
0x10: {  	s0 =	sadd.s32 $0xA00, s0;
	s4 =	simm.s32 $0x0;
	[dreg:$0x4] =	wrdreg s26  }
0x11: {  	[dreg:$0x5] =	wrdreg s0;
	s26 =	simm.s32 $0x6;
	s0 =	simm.s32 $0xC  }
.LBB2_4:
0x12: {  	s1 =	simm.s32 $0xD  }
0x13: {  	_ =	swait.ge [sflag:s1], $0x1900  }
0x14: {  	[sflag:s1] =	ssyncset.done $0x0  }
0x15: {  	s10 =	simm.s32 $0xE;
	[sflag:s1] =	ssyncadd.s32 $0xFFFFE700  }
0x16: {  	_ =	swait.ge [sflag:s10], $0x1900  }
0x17: {  	[sflag:s10] =	ssyncset.done $0x0  }
0x18: {  	s12 =	simm.s32 $0xF;
	[sflag:s10] =	ssyncadd.s32 $0xFFFFE700  }
0x19: {  	_ =	swait.ge [sflag:s12], $0x1900  }
0x1a: {  	[sflag:s12] =	ssyncset.done $0x0  }
0x1b: {  	s5 =	simm.s32 $0x10;
	[sflag:s12] =	ssyncadd.s32 $0xFFFFE700  }
0x1c: {  	_ =	swait.ge [sflag:s5], $0x1900  }
0x1d: {  	s4 =	sadd.s32 $0x1, s4;
	s14 =	rddreg [dreg:$0x4]  }
0x1e: {  	p0 =	sne.s32 s4, s14  }
.Ltmp1:
0x1f: {  	_ = 	snop;
	(pc) =	sbr.rel @!p0 .LBB2_5-.Ltmp1, $3  }
0x20: {  	_ =	sdelay $0x1  }
0x21: {  	[sflag:s5] =	ssyncset.done $0x0  }
0x22: {  	[sflag:s5] =	ssyncadd.s32 $0xFFFFE700  }
.LBB2_1:
0x23: {  	s1 =	rddreg [dreg:$0x3];
	s7 =	simm.s32 $0x11  }
0x24: {  	[tilespmem:s2], [sflag:$0x11] =	stream.linear.gather [hbm4b:s1+s2], $0x10000, $0x38;
	[tilespmem:$0x1E000] =	vst v63  }
0x25: {  	_ =	swait.ge [sflag:s7], $0x10000  }
0x26: {  	[sflag:s7] =	ssyncset.done $0x0  }
0x27: {  	[sflag:s7] =	ssyncadd.s32 $0xFFFF0000  }
0x28: {  	[tilespmem:s9], [sflag:$0x1] =	stream.indirect.gather [hbm4b:s3+s8], $0x80, s2, s8, $0xb8;
	[tilespmem:$0x1E000] =	vst v63  }
0x29: {  	s10 =	simm.s32 $0x80  }
0x2a: {  	[tilespmem:s11], [sflag:$0x2] =	stream.indirect.gather [hbm4b:s3+s8], $0x80, s10, s8, $0xb8;
	[tilespmem:$0x1E000] =	vst v63  }
0x2b: {  	s12 =	simm.s32 $0x100  }
0x2c: {  	[tilespmem:s13], [sflag:$0x3] =	stream.indirect.gather [hbm4b:s3+s8], $0x80, s12, s8, $0xb8;
	[tilespmem:$0x1E000] =	vst v63  }
0x2d: {  	s14 =	simm.s32 $0x180;
	s5 =	simm.s32 $0x0;
	s6 =	rddreg [dreg:$0x5]  }
0x2e: {  	[tilespmem:s15], [sflag:$0x4] =	stream.indirect.gather [hbm4b:s3+s8], $0x80, s14, s8, $0xb8;
	[tilespmem:$0x1E000] =	vst v63  }
.LBB2_2:
0x2f: {  	_ =	swait.ge [sflag:s16], $0x1900  }
0x30: {  	p0 =	seq.s32 s5, $0x0;
	[sflag:s16] =	ssyncset.done $0x0  }
0x31: {  	s1 =	simm.s32 @!p0 $0xD;
	[sflag:s16] =	ssyncadd.s32 $0xFFFFE700  }
0x32: {  	[hbm4b:s6+s2] =	stream.linear.scatter [tilespmem:s9], [sflag:$0x9], $0x1900, $0x38;
	[tilespmem:$0x1E000] =	vst v63  }
0x33: {  	_ =	swait.ge @!p0 [sflag:s1], $0x1900  }
0x34: {  	s7 =	sshra.s32 s5, $0x2;
	[sflag:s1] =	ssyncset.done @!p0 $0x0  }
0x35: {  	s10 =	sadd.s32 $0x200, s7;
	[sflag:s1] =	ssyncadd.s32 @!p0 $0xFFFFE700  }
0x36: {  	[tilespmem:s17], [sflag:$0x5] =	stream.indirect.gather [hbm4b:s3+s8], $0x80, s10, s8, $0xb8;
	[tilespmem:$0x1E000] =	vst v63  }
0x37: {  	_ =	swait.ge [sflag:s18], $0x1900  }
0x38: {  	[sflag:s18] =	ssyncset.done $0x0  }
0x39: {  	s12 =	sadd.s32 $0x380, s6;
	s1 =	simm.s32 @!p0 $0xE;
	[sflag:s18] =	ssyncadd.s32 $0xFFFFE700  }
0x3a: {  	[hbm4b:s12+s2] =	stream.linear.scatter [tilespmem:s11], [sflag:$0xA], $0x1900, $0x38;
	[tilespmem:$0x1E000] =	vst v63  }
0x3b: {  	_ =	swait.ge @!p0 [sflag:s1], $0x1900  }
0x3c: {  	[sflag:s1] =	ssyncset.done @!p0 $0x0  }
0x3d: {  	s14 =	sadd.s32 $0x280, s7;
	[sflag:s1] =	ssyncadd.s32 @!p0 $0xFFFFE700  }
0x3e: {  	[tilespmem:s19], [sflag:$0x6] =	stream.indirect.gather [hbm4b:s3+s8], $0x80, s14, s8, $0xb8;
	[tilespmem:$0x1E000] =	vst v63  }
0x3f: {  	_ =	swait.ge [sflag:s20], $0x1900  }
0x40: {  	[sflag:s20] =	ssyncset.done $0x0  }
0x41: {  	s10 =	sadd.s32 $0x700, s6;
	s1 =	simm.s32 @!p0 $0xF;
	[sflag:s20] =	ssyncadd.s32 $0xFFFFE700  }
0x42: {  	[hbm4b:s10+s2] =	stream.linear.scatter [tilespmem:s13], [sflag:$0xB], $0x1900, $0x38;
	[tilespmem:$0x1E000] =	vst v63  }
0x43: {  	_ =	swait.ge @!p0 [sflag:s1], $0x1900  }
0x44: {  	[sflag:s1] =	ssyncset.done @!p0 $0x0  }
0x45: {  	s12 =	sadd.s32 $0x300, s7;
	[sflag:s1] =	ssyncadd.s32 @!p0 $0xFFFFE700  }
0x46: {  	[tilespmem:s21], [sflag:$0x7] =	stream.indirect.gather [hbm4b:s3+s8], $0x80, s12, s8, $0xb8;
	[tilespmem:$0x1E000] =	vst v63  }
0x47: {  	_ =	swait.ge [sflag:s22], $0x1900  }
0x48: {  	[sflag:s22] =	ssyncset.done $0x0  }
0x49: {  	s14 =	sadd.s32 $0xA80, s6;
	s1 =	simm.s32 @!p0 $0x10;
	[sflag:s22] =	ssyncadd.s32 $0xFFFFE700  }
0x4a: {  	[hbm4b:s14+s2] =	stream.linear.scatter [tilespmem:s15], [sflag:$0xC], $0x1900, $0x38;
	[tilespmem:$0x1E000] =	vst v63  }
0x4b: {  	_ =	swait.ge @!p0 [sflag:s1], $0x1900  }
0x4c: {  	[sflag:s1] =	ssyncset.done @!p0 $0x0  }
0x4d: {  	s10 =	sadd.s32 $0x380, s7;
	[sflag:s1] =	ssyncadd.s32 @!p0 $0xFFFFE700  }
0x4e: {  	[tilespmem:s23], [sflag:$0x8] =	stream.indirect.gather [hbm4b:s3+s8], $0x80, s10, s8, $0xb8;
	[tilespmem:$0x1E000] =	vst v63  }
0x4f: {  	_ =	swait.ge [sflag:s24], $0x1900  }
0x50: {  	[sflag:s24] =	ssyncset.done $0x0  }
0x51: {  	s12 =	sadd.s32 $0xE00, s6;
	[sflag:s24] =	ssyncadd.s32 $0xFFFFE700  }
0x52: {  	[hbm4b:s12+s2] =	stream.linear.scatter [tilespmem:s17], [sflag:$0xD], $0x1900, $0x38;
	[tilespmem:$0x1E000] =	vst v63  }
0x53: {  	p0 =	seq.s32 s5, $0x3F000;
	_ =	swait.ge [sflag:s25], $0x1900  }
0x54: {  	s1 =	sshra.s32 @!p0 s5, $0x2;
	s14 =	simm.s32 @!p0 $0x10000;
	[sflag:s25] =	ssyncset.done $0x0  }
0x55: {  	s10 =	sadd.s32 @!p0 $0x400, s1;
	s12 =	simm.s32 @!p0 $0x32;
	[sflag:s25] =	ssyncadd.s32 $0xFFFFE700  }
0x56: {  	[tilespmem:s14], [sflag:$0x1] =	stream.indirect.gather @!p0 [hbm4b:s3+s12], $0x80, s10, s12, $0xb8;
	[tilespmem:$0x1E000] =	vst v63  }
0x57: {  	_ =	swait.ge [sflag:s26], $0x1900  }
0x58: {  	[sflag:s26] =	ssyncset.done $0x0  }
0x59: {  	s14 =	sadd.s32 $0x1180, s6;
	[sflag:s26] =	ssyncadd.s32 $0xFFFFE700  }
0x5a: {  	[hbm4b:s14+s2] =	stream.linear.scatter [tilespmem:s19], [sflag:$0xE], $0x1900, $0x38;
	[tilespmem:$0x1E000] =	vst v63  }
0x5b: {  	_ =	swait.ge [sflag:s28], $0x1900  }
0x5c: {  	[sflag:s28] =	ssyncset.done $0x0  }
0x5d: {  	s10 =	sadd.s32 @!p0 $0x480, s1;
	s14 =	simm.s32 @!p0 $0x11C00;
	[sflag:s28] =	ssyncadd.s32 $0xFFFFE700  }
0x5e: {  	[tilespmem:s14], [sflag:$0x2] =	stream.indirect.gather @!p0 [hbm4b:s3+s12], $0x80, s10, s12, $0xb8;
	[tilespmem:$0x1E000] =	vst v63  }
0x5f: {  	_ =	swait.ge [sflag:s29], $0x1900  }
0x60: {  	[sflag:s29] =	ssyncset.done $0x0  }
0x61: {  	s14 =	sadd.s32 $0x1500, s6;
	[sflag:s29] =	ssyncadd.s32 $0xFFFFE700  }
0x62: {  	[hbm4b:s14+s2] =	stream.linear.scatter [tilespmem:s21], [sflag:$0xF], $0x1900, $0x38;
	[tilespmem:$0x1E000] =	vst v63  }
0x63: {  	_ =	swait.ge [sflag:s30], $0x1900  }
0x64: {  	[sflag:s30] =	ssyncset.done $0x0  }
0x65: {  	s1 =	sadd.s32 @!p0 $0x500, s1;
	s10 =	simm.s32 @!p0 $0x13800;
	[sflag:s30] =	ssyncadd.s32 $0xFFFFE700  }
0x66: {  	[tilespmem:s10], [sflag:$0x3] =	stream.indirect.gather @!p0 [hbm4b:s3+s12], $0x80, s1, s12, $0xb8;
	[tilespmem:$0x1E000] =	vst v63  }
0x67: {  	_ =	swait.ge [sflag:s31], $0x1900  }
0x68: {  	[sflag:s31] =	ssyncset.done $0x0  }
.Ltmp2:
0x69: {  	s14 =	sadd.s32 $0x1880, s6;
	[sflag:s31] =	ssyncadd.s32 $0xFFFFE700;
	(pc) =	sbr.rel @p0 .LBB2_4-.Ltmp2, $4  }
0x6a: {  	[hbm4b:s14+s2] =	stream.linear.scatter [tilespmem:s23], [sflag:$0x10], $0x1900, $0x38;
	[tilespmem:$0x1E000] =	vst v63  }
0x6b: {  	_ =	swait.ge [sflag:s0], $0x1900  }
0x6c: {  	[sflag:s0] =	ssyncset.done $0x0  }
0x6d: {  	[sflag:s0] =	ssyncadd.s32 $0xFFFFE700  }
.Ltmp3:
0x6e: {  	(pc) =	sbr.rel .LBB2_2-.Ltmp3, $3  }
0x6f: {  	_ =	sdelay $0x1  }
0x70: {  	s1 =	sadd.s32 $0x580, s7;
	s5 =	sadd.s32 $0x1000, s5;
	s6 =	sadd.s32 $0x1C00, s6  }
0x71: {  	[tilespmem:s15], [sflag:$0x4] =	stream.indirect.gather [hbm4b:s3+s8], $0x80, s1, s8, $0xb8;
	[tilespmem:$0x1E000] =	vst v63  }
.LBB2_5:
0x72: {  	_ =	sfence.sel $0x180000  }
0x73: {  	[bflag:$0x0] =	sbarrier.arrive $0xFFFF  }
0x74: {  	_ =	strace $0x90000047  }
0x75: {  	s0 =	stileid.u32;
	[bflag:$0x2] =	sbarrier.arrive $0xFFFF  }
0x76: {  	p0 =	sne.s32 s0, $0x0;
	s0 =	rddreg [dreg:$0x2]  }
0x77: {  	s0 =	sadd.s32 @!p0 $0x100000, s0  }
0x78: {  	[sflag:s0] =	ssyncadd.tile.s32 @!p0 $0x1;
	_ =	shalt  }
.Lfunc_end2:
_tile_overlayer_lowered:
.L_overlay_start_2:
0x79: {  	(tag) =	ssettag $0x2  }
0x7a: {  	s0 =	rddreg [dreg:$0x0];
	s2 =	stileid.u32  }
0x7b: {  	s1 =	rddreg [dreg:$0x1];
	p0 =	sne.s32 s2, $0x0  }
0x7c: {  	s3 =	rddreg [dreg:$0x2];
	[bflag:$0x3] =	sbarrier.arrive $0xFFFF;
	s2 =	simm.s32 @!p0 $0x1C11  }
0x7d: {  	[timem:s3], [sflag:s2] =	dma.local @!p0 [hbm:s0], s1  }
0x7e: {  	s0 =	simm.s32 @!p0 $0x11  }
0x7f: {  	_ =	swait.ge @!p0 [sflag:s0], s1  }
0x80: {  	s1 =	ssub.s32 @!p0 $0x0, s1;
	[sflag:s0] =	ssyncset.done @!p0 $0x0  }
0x81: {  	[sflag:s0] =	ssyncadd.s32 @!p0 s1  }
0x82: {  	[bflag:$0x3] =	sbarrier.arrive $0xFFFF  }
0x83: {  	_ =	shalt  }

// kernel: sparse-core-data-format-call.cloned.1.call-start
scs
called_computation_lowered:
.L_overlay_start_0:
0x0: {  	s2 =	sld [smem:$0x3FD9]  }
0x1: {  	s3 =	sld [smem:$0x3FFE];
	_ =	sdelay $0x1  }
0x2: {  	s1 =	srdreg.scid  }
0x3: {  	s0 =	sand.u32 $0x1, s1  }
0x4: {  	s18 =	sshll.u32 s0, $0xA;
	s2 =	sadd.s32 s3, s2  }
0x5: {  	s2 =	sadd.s32 s2, s18  }
0x6: {  	[smem:$0x3FC6] =	sst s2  }
0x7: {  	_ = 	snop  }
0x8: {  	s2 =	sld [smem:$0x3FD0];
	(tm) =	ssettm $0x1  }
0x9: {  	s19 =	sld [smem:$0x3FFB];
	_ =	sdelay $0x3  }
0xa: {  	_ =	strace s19  }
0xb: {  	s3 =	sld [smem:$0x3FFC];
	_ =	sdelay $0x3  }
0xc: {  	_ =	strace s3  }
0xd: {  	s3 =	sld [smem:$0x3FFD];
	_ =	sdelay $0x3  }
0xe: {  	_ =	strace s3  }
0xf: {  	_ =	strace $0x8FFFFFFF  }
0x10: {  	s20 =	sld [smem:$0x3FDB];
	_ =	sdelay $0x1  }
0x11: {  	s4 =	simm.s32 $_scs_section_size  }
0x12: {  	s5 =	simm.s32 $_size__tile_overlayer_lowered;
	s6 =	simm.s32 $_tile_overlayer_lowered  }
0x13: {  	s23 =	simm.s32 $0x1BFF;
	s22 =	sshll.u32 s6, $0x1;
	s3 =	sadd.s32 s4, s20  }
0x14: {  	s7 =	simm.s32 $0x0;
	s21 =	sshll.u32 s5, $0x1;
	s5 =	sadd.s32 s22, s3  }
0x15: {  	[timem:s7], [sflag:s23] =	dma.local [hbm:s5], s21  }
0x16: {  	_ =	swait.ge [sflag:s23], s21  }
0x17: {  	s4 =	ssub.s32 $0x0, s21;
	[sflag:s23] =	ssyncset.done $0x0  }
0x18: {  	[sflag:s23] =	ssyncadd.s32 s4;
	_ =	sdelay $0x1  }
0x19: {  	s24 =	simm.s32 $0x1B8B  }
0x1a: {  	_ =	swait.ge [sflag:s24], $0x1  }
0x1b: {  	[sflag:s24] =	ssyncset.done $0x0  }
0x1c: {  	s26 =	simm.s32 $0x1B8E;
	s25 =	sld [smem:$0x3FFE];
	[sflag:s24] =	ssyncadd.s32 $0xFFFFFFFF  }
0x1d: {  	s27 =	simm.s32 $execute0_lowered;
	[smem:$0x3FD2] =	sst s26  }
0x1e: {  	s5 =	sshll.u32 s27, $0x1;
	_ =	strace $0x80000049;
	[dreg:$0x1] =	wrdreg $0xFFFFFFFF  }
0x1f: {  	s28 =	simm.s32 $_size_execute0_lowered;
	s3 =	sadd.s32 s3, s5;
	[dreg:$0x0] =	wrdreg $0x0  }
0x20: {  	s5 =	sshll.u32 s28, $0x1;
	[dreg:$0x2] =	wrdreg s3  }
0x21: {  	[dreg:$0x3] =	wrdreg s5  }
0x22: {  	[dreg:$0x4] =	wrdreg $0xC0  }
0x23: {  	_ =	task [dreg:s7], $0x5FFFF  }
0x24: {  	[dreg:$0x1] =	wrdreg $0xFFFFFFFF  }
0x25: {  	[dreg:$0x0] =	wrdreg $0x60  }
0x26: {  	[dreg:$0x2] =	wrdreg s25  }
0x27: {  	[dreg:$0x3] =	wrdreg s2  }
0x28: {  	[dreg:$0x4] =	wrdreg $0x9  }
0x29: {  	_ =	task.clear_ibuf [dreg:s7], $0x5FFFF;
	_ =	strace $0x90000049  }
0x2a: {  	s29 =	simm.s32 $0x9;
	_ =	strace $0x8000004B  }
0x2b: {  	_ =	swait.ge [sflag:s29], $0x1  }
0x2c: {  	[sflag:s29] =	ssyncadd.s32 $0xFFFFFFFF  }
0x2d: {  	_ =	strace $0x9000004B  }
0x2e: {  	_ =	sfence  }
0x2f: {  	s30 =	sld [smem:$0x0];
	_ =	sdelay $0x2  }
0x30: {  	s31 =	sshll.u32 s1, $0xD;
	s1 =	sshrl.u32 s1, $0x2  }
0x31: {  	s3 =	sand.u32 $0x4000, s31;
	s1 =	sadd.s32 s1, s30  }
0x32: {  	s0 =	sor.u32 s3, s0;
	s1 =	sshll.u32 s1, $0x11  }
0x33: {  	s0 =	sor.u32 s1, s0  }
0x34: {  	s0 =	sadd.s32 $0x8F2B, s0  }
0x35: {  	[sflag:s0] =	ssyncadd.remote.s32 $0x1  }
0x36: {  	_ =	sfence.sel $0xFFFF  }
0x37: {  	[dreg:$0x0] =	wrdreg $0xFFFFFFFF;
	(pc) =	sbr.abs _section_cstart, $3  }
0x38: {  	[dreg:$0x1] =	wrdreg $0xFFFFFFFF  }
0x39: {  	_ =	task.clear_ibuf [dreg:s7], $0x2FFFF;
	_ =	strace $0x9FFFFFFF  }
0x3a: {  	(tm) =	ssettm $0x7FFFFFFF  }
0x3b: {  	_ =	shalt  }
tec
execute0_lowered:
.L_overlay_start_1:
0x0: {  	(tag) =	ssettag $0x1  }
0x1: {  	s0 =	srdreg.scid  }
0x2: {  	s1 =	sshll.u32 s0, $0x4  }
0x3: {  	s0 =	stileid.u32;
	s1 =	sand.u32 $0x10, s1  }
0x4: {  	s1 =	sor.u32 s0, s1  }
0x5: {  	s6 =	rddreg [dreg:$0x0];
	s4 =	simm.s32 $0x1;
	s2 =	sshll.u32 s1, $0x7  }
0x6: {  	s7 =	simm.s32 $0x2;
	s12 =	simm.s32 $0x0;
	s1 =	ssub.s32 $0x4000, s2  }
0x7: {  	s8 =	simm.s32 $0x20000;
	s13 =	simm.s32 $0x0;
	s3 =	sand.u32 $0xF80, s1  }
0x8: {  	s9 =	simm.s32 $0x0;
	s5 =	sshrl.u32 s1, $0xC;
	p0 =	sne.s32 s3, $0x0  }
.Ltmp0:
0x9: {  	s1 =	rddreg [dreg:$0x2];
	s4 =	simm.s32 @!p0 $0x0;
	(pc) =	sbr.rel .LBB1_1-.Ltmp0, $4  }
0xa: {  	s11 =	simm.s32 $0x0;
	s3 =	rddreg [dreg:$0x1];
	s5 =	sadd.s32 s4, s5  }
0xb: {  	_ =	strace $0x8000004A;
	s4 =	simm.s32 $0x1;
	s5 =	smul.u32 $0x32, s5  }
0xc: {  	s6 =	sadd.s32 $0xA00, s6;
	s10 =	smov.u32 s2;
	[sflag:s4] =	ssyncpa.u1 $0x0  }
0xd: {  	p0 =	por $0x0, $0x0;
	[sflag:s7] =	ssyncpa.u1 $0x0;
	s7 =	sor.u32 $0x1, s5  }
.LBB1_4:
0xe: {  	s16 =	sshll.u32 s13, $0x3;
	s17 =	sand.u32 $0x78, s13  }
0xf: {  	s30 =	sand.u32 $0x1F800, s13;
	s12 =	sshll.u32 s12, $0x11;
	s16 =	sand.u32 $0x3C00, s16  }
0x10: {  	[tilespmem:s15+$0x810 ss:$0x81] =	vst.msk $0xffff, v2;
	s31 =	sand.u32 $0x7, s13;
	s16 =	sor.u32 s17, s16;
	s17 =	sadd.s32 s3, s30  }
0x11: {  	[tilespmem:s15+$0x1020 ss:$0x81] =	vst.msk $0xffff, v0;
	s13 =	sshll.u32 s31, $0x12;
	s12 =	sadd.s32 s12, s17;
	s16 =	sshrl.u32 s16, $0x3  }
0x12: {  	[tilespmem:s15+$0x0 ss:$0x81] =	vst.msk $0xffff, v1;
	s13 =	sor.u32 $0x400, s13;
	s12 =	sadd.s32 s16, s12  }
0x13: {  	[hbm4b:s12+s13] =	stream.strided.scatter [tilespmem:s14], [sflag:$0x2], $0x2000, s8, s13, $0x20;
	[tilespmem:$0x8080] =	vst v63  }
.LBB1_5:
0x14: {  	s14 =	sadd.s32 $0x1, s9  }
0x15: {  	s12 =	sadd.s32 $0x1000, s10;
	s16 =	smov.u32 s10;
	p2 =	sgt.s32 s14, $0x31  }
0x16: {  	s16 =	smov.u32 @p2 s12  }
0x17: {  	s14 =	simm.s32 @p2 $0x0;
	p2 =	sgt.s32 s16, $0x3FFF  }
0x18: {  	s16 =	smov.u32 @p2 s2;
	p2 =	sne.s32 s11, s7  }
.Ltmp1:
0x19: {  	p1 =	slt.u32 s11, $0x2;
	(pc) =	sbr.rel @!p2 .LBB1_6-.Ltmp1, $4  }
0x1a: {  	s15 =	simm.s32 @!p1 $0x2  }
0x1b: {  	s13 =	smov.u32 s10;
	p0 =	por !p0, !p0;
	_ =	swait.ge @!p1 [sflag:s15], $0x2000  }
0x1c: {  	s12 =	smov.u32 s9;
	[sflag:s15] =	ssyncset.done @!p1 $0x0;
	s9 =	smov.u32 s14  }
0x1d: {  	s11 =	sadd.s32 $0x1, s11;
	[sflag:s15] =	ssyncadd.s32 @!p1 $0xFFFFE000;
	s10 =	smov.u32 s16  }
.LBB1_1:
0x1e: {  	p1 =	sge.u32 s11, s5  }
0x1f: {  	s14 =	sand.u32 @!p1 $0x1FFFFFF, s9  }
0x20: {  	s15 =	smulhi.u32 @!p1 $0x4924925, s14;
	_ =	sdelay $0x1  }
0x21: {  	s15 =	smul.u32 @!p1 $0x38, s15  }
0x22: {  	s16 =	sxor.u32 @!p1 $0xFFFFFFFF, s11;
	s17 =	smul.u32 @!p1 $0x380, s10  }
0x23: {  	s31 =	sadd.s32 $0xFFFFFFFF, s11;
	s16 =	sshll.u32 @!p1 s16, $0xD;
	s14 =	ssub.s32 @!p1 s14, s15  }
0x24: {  	s15 =	sand.u32 @!p1 $0x2000, s16;
	s16 =	sadd.s32 @!p1 s6, s17;
	s14 =	sshll.u32 @!p1 s14, $0x4  }
0x25: {  	s17 =	simm.s32 @!p1 $0x1C00;
	s14 =	sadd.s32 @!p1 s14, s16;
	s16 =	simm.s32 @!p1 $0x40  }
0x26: {  	[tilespmem:s15], [sflag:$0x1] =	stream.strided.gather @!p1 [hbm4b:s14+s16], $0x2000, s17, s16, $0x38;
	[tilespmem:$0x8080] =	vst v63  }
0x27: {  	p1 =	sge.u32 s31, s5  }
.Ltmp2:
0x28: {  	_ = 	snop;
	(pc) =	sbr.rel @p1 .LBB1_5-.Ltmp2, $1  }
0x29: {  	_ =	sdelay $0x3  }
0x2a: {  	s14 =	simm.s32 $0x1  }
0x2b: {  	_ =	swait.ge [sflag:s4], $0x2000;
	s14 =	simm.s32 @!p0 $0x0  }
0x2c: {  	[sflag:s4] =	ssyncset.done $0x0;
	s15 =	sshll.u32 s14, $0xD  }
0x2d: {  	[sflag:s4] =	ssyncadd.s32 $0xFFFFE000;
	s18 =	sor.u32 $0x20, s15  }
0x2e: {  	s14 =	smul.u32 $0x8100, s14;
	v3 =	vld [tilespmem:s18+$0x10]  }
0x2f: {  	s30 =	sand.u32 $0x1, s11;
	v2 =	vld [tilespmem:s18+$0xFFFFFFF0]  }
0x30: {  	s15 =	smul.u32 $0x8100, s30;
	s14 =	sshrl.u32 s14, $0x2;
	v0 =	vld [tilespmem:s18+$0x0]  }
0x31: {  	v1 =	vld [tilespmem:s18+$0xFFFFFFE0];
	s16 =	sor.u32 $0x4000, s14  }
0x32: {  	s31 =	sshrl.u32 s15, $0x2;
	s15 =	sadd.s32 $0x0, s16  }
0x33: {  	s17 =	simm.s32 $0x4;
	s18 =	sadd.s32 $0x40, s18;
	s14 =	sor.u32 $0x4000, s31;
	[tilespmem:s15+$0x1830 ss:$0x81] =	vst.msk $0xffff, v3  }
.LBB1_3:
0x34: {  	v3 =	vld [tilespmem:s18+$0x10];
	p1 =	sne.s32 s17, $0x1FC;
	[tilespmem:s15+$0x810 ss:$0x81] =	vst.msk $0xffff, v2;
	s19 =	smov.u32 s17;
	s17 =	sadd.s32 $0x4, s17  }
.Ltmp3:
0x35: {  	v2 =	vld [tilespmem:s18+$0xFFFFFFF0];
	[tilespmem:s15+$0x1020 ss:$0x81] =	vst.msk $0xffff, v0;
	(pc) =	sbr.rel @p1 .LBB1_3-.Ltmp3, $4  }
0x36: {  	v0 =	vld [tilespmem:s18+$0x0];
	[tilespmem:s15+$0x0 ss:$0x81] =	vst.msk $0xffff, v1  }
0x37: {  	s15 =	sshra.s32 s19, $0x2;
	v1 =	vld [tilespmem:s18+$0xFFFFFFE0]  }
0x38: {  	s15 =	sadd.s32 s15, s16  }
0x39: {  	s18 =	sadd.s32 $0x40, s18;
	[tilespmem:s15+$0x1830 ss:$0x81] =	vst.msk $0xffff, v3  }
.Ltmp4:
0x3a: {  	_ = 	snop;
	(pc) =	sbr.rel .LBB1_4-.Ltmp4, $1  }
0x3b: {  	_ =	sdelay $0x3  }
.LBB1_6:
0x3c: {  	_ =	sfence.sel $0x180000  }
0x3d: {  	s2 =	simm.s32 $0x1;
	[bflag:$0x0] =	sbarrier.arrive $0xFFFF  }
0x3e: {  	s31 =	simm.s32 $0x2;
	[sflag:s2] =	ssyncpa.u1 $0x1  }
0x3f: {  	[sflag:s31] =	ssyncpa.u1 $0x1  }
0x40: {  	p0 =	sne.s32 s0, $0x0;
	_ =	strace $0x9000004A  }
0x41: {  	s0 =	sadd.s32 @!p0 $0x100000, s1;
	[bflag:$0x2] =	sbarrier.arrive $0xFFFF  }
0x42: {  	[sflag:s0] =	ssyncadd.tile.s32 @!p0 $0x1;
	_ =	shalt  }
.Lfunc_end1:
_tile_overlayer_lowered:
.L_overlay_start_2:
0x43: {  	(tag) =	ssettag $0x2  }
0x44: {  	s0 =	rddreg [dreg:$0x0];
	s2 =	stileid.u32  }
0x45: {  	s1 =	rddreg [dreg:$0x1];
	p0 =	sne.s32 s2, $0x0  }
0x46: {  	s3 =	rddreg [dreg:$0x2];
	[bflag:$0x3] =	sbarrier.arrive $0xFFFF;
	s2 =	simm.s32 @!p0 $0x1C01  }
0x47: {  	[timem:s3], [sflag:s2] =	dma.local @!p0 [hbm:s0], s1  }
0x48: {  	s0 =	simm.s32 @!p0 $0x1  }
0x49: {  	_ =	swait.ge @!p0 [sflag:s0], s1  }
0x4a: {  	s1 =	ssub.s32 @!p0 $0x0, s1;
	[sflag:s0] =	ssyncset.done @!p0 $0x0  }
0x4b: {  	[sflag:s0] =	ssyncadd.s32 @!p0 s1  }
0x4c: {  	[bflag:$0x3] =	sbarrier.arrive $0xFFFF  }
0x4d: {  	_ =	shalt  }

</sc_bundles>
